<compile_context>
chip_gen: v7x
topology: tpu7x:2x2x1
jax: 0.10.2.dev20260603
libtpu: 0.0.44.dev20260713+nightly
codegen_flags: <defaults>
</compile_context>

<pallas_src>
import functools

import jax
import jax.numpy as jnp
from jax import lax
from jax.experimental import pallas as pl
from jax.experimental.pallas import tpu as pltpu
from jax.experimental.pallas import tpu_sc as plsc

DIM = 32
MAX_REL_POS = 128
LENGTH_Q = 2048
LENGTH_K = 2048

_NUM_CORES = 2
_NUM_SUBCORES = 16
_NUM_TILES = _NUM_CORES * _NUM_SUBCORES
_NPHASE = 128
_NQ = 16
_S_COLS = _NPHASE * (_NQ - 1) + LENGTH_K
_PHASES_PER_TILE = _NPHASE // _NUM_TILES


def _stage_body(table_t_ref, out_ref):
    c = pl.program_id(0)
    upos = lax.broadcasted_iota(jnp.int32, (MAX_REL_POS * 2 + 1, _S_COLS), 1)
    idx = jnp.clip(
        upos + (c - (LENGTH_Q - 1)), -MAX_REL_POS, MAX_REL_POS
    ) + MAX_REL_POS
    rows = lax.broadcasted_iota(jnp.int32, (MAX_REL_POS * 2 + 1, _S_COLS), 0)
    onehot = (idx == rows).astype(jnp.float32)
    out_ref[0] = jnp.dot(
        table_t_ref[...], onehot, preferred_element_type=jnp.float32
    )


def _copy_body(st128_hbm, out_hbm, win, sem):
    c = lax.axis_index("c")
    s = lax.axis_index("s")
    g = c * _NUM_SUBCORES + s

    def do_phase(k, _):
        p = g * _PHASES_PER_TILE + k
        pltpu.sync_copy(st128_hbm.at[p], win)
        handles = []
        for q in range(_NQ):
            i = (LENGTH_Q - 1) - p - q * _NPHASE
            src = win.at[:, pl.ds(q * _NPHASE, LENGTH_K)]
            handles.append(pltpu.async_copy(src, out_hbm.at[i], sem))
        for h in handles:
            h.wait()
        return _

    lax.fori_loop(0, _PHASES_PER_TILE, do_phase, None)


@jax.jit
def _rpe(table):
    table_t = table.T

    st128 = pl.pallas_call(
        _stage_body,
        grid=(_NPHASE,),
        in_specs=[
            pl.BlockSpec((DIM, MAX_REL_POS * 2 + 1), lambda c: (0, 0)),
        ],
        out_specs=pl.BlockSpec((1, DIM, _S_COLS), lambda c: (c, 0, 0)),
        out_shape=jax.ShapeDtypeStruct((_NPHASE, DIM, _S_COLS), jnp.float32),
    )(table_t)

    mesh = plsc.VectorSubcoreMesh(core_axis_name="c", subcore_axis_name="s")
    out3 = pl.kernel(
        _copy_body,
        out_type=jax.ShapeDtypeStruct((LENGTH_Q, DIM, LENGTH_K), jnp.float32),
        mesh=mesh,
        scratch_types=[
            pltpu.VMEM((DIM, _S_COLS), jnp.float32),
            pltpu.SemaphoreType.DMA,
        ],
    )(st128)
    return jnp.transpose(out3, (0, 2, 1))


def kernel(length_q, length_k, rel_pos_embeddings):
    del length_q, length_k
    return _rpe(rel_pos_embeddings)

# --- scband reference (transcript-rebuilt; emitter-appended) ---
"""Pipeline reference for scband-relative-positional-encoding-34634616274972 (READ-ONLY COPY).

The authoritative reference and input builder live on the scoring server;
editing this copy changes nothing except your own understanding.
"""

import jax, jax.numpy as jnp
import numpy as np

DIM = 32
MAX_REL_POS = 128
LENGTH_Q = 2048
LENGTH_K = 2048


def setup_inputs(seed: int = 0) -> dict:
    key = jax.random.key(seed)
    num_rows = MAX_REL_POS * 2 + 1
    # xavier_uniform init: limit = sqrt(6 / (fan_in + fan_out))
    limit = float(np.sqrt(6.0 / (num_rows + DIM)))
    rel_pos_embeddings = jax.random.uniform(
        key, (num_rows, DIM), dtype=jnp.float32, minval=-limit, maxval=limit
    )
    return {
        "length_q": LENGTH_Q,
        "length_k": LENGTH_K,
        "rel_pos_embeddings": rel_pos_embeddings,
    }


def reference(length_q, length_k, rel_pos_embeddings):
    range_q = jnp.arange(LENGTH_Q) + length_q * 0
    range_k = jnp.arange(LENGTH_K) + length_k * 0
    distance_mat = range_k[None, :] - range_q[:, None]
    distance_mat_clipped = jnp.clip(distance_mat, -MAX_REL_POS, MAX_REL_POS)
    final_mat = distance_mat_clipped + MAX_REL_POS
    embeddings = jnp.take(rel_pos_embeddings, final_mat, axis=0)
    return embeddings

if __name__ == "__main__":
    import jax
    _d = setup_inputs()
    print(jax.jit(kernel)(*tuple(_d.values())))

</pallas_src>

<mosaic_0001>
#map = affine_map<(d0, d1) -> (0, 0, 0)>
module attributes {stable_mosaic.version = 14 : i64} {
  func.func @_copy_body(%arg0: i32, %arg1: i32, %arg2: memref<128x32x3968xf32, #tpu.memory_space<hbm>>, %arg3: memref<2048x32x2048xf32, #tpu.memory_space<hbm>>, %arg4: memref<32x3968xf32, #tpu.memory_space<vmem>>, %arg5: memref<!tpu.dma_semaphore, #tpu.memory_space<semaphore_mem>>) attributes {dimension_semantics = [#tpu.dimension_semantics<core_parallel>, #tpu.dimension_semantics<subcore_parallel>], iteration_bounds = array<i64: 2, 16>, scalar_prefetch = 0 : i64, scratch_operands = 2 : i64, tpu.core_type = #tpu.core_type<sc_vector_subcore>, window_params = [{transform_indices = #map}, {transform_indices = #map}]} {
    %mul3A = arith.constant 16 : i32
    %mul3A_0 = arith.muli %arg0, %mul3A : i32
    %add3A = arith.addi %mul3A_0, %arg1 : i32
    %scan3A = arith.constant 0 : i32
    %scan3A_1 = arith.constant 4 : i32
    %scan3A_2 = arith.addi %scan3A, %scan3A_1 : i32
    %scan3A_3 = arith.constant 1 : i32
    scf.for %scan3A_5 = %scan3A to %scan3A_2 step %scan3A_3  : i32 {
      %mul3A_6 = arith.constant 4 : i32
      %mul3A_7 = arith.muli %add3A, %mul3A_6 : i32
      %add3A_8 = arith.addi %mul3A_7, %scan3A_5 : i32
      "tpu.region"() ({
        %run_scoped3A = tpu.sem_alloc : memref<!tpu.dma_semaphore, #tpu.memory_space<semaphore_mem>>
        %dma_start3A_518 = arith.constant 0 : i32
        %dma_start3A_519 = arith.constant 0 : i32
        %dma_start3A_520 = tpu.memref_slice %arg2[%add3A_8, %dma_start3A_518, %dma_start3A_519] : memref<128x32x3968xf32, #tpu.memory_space<hbm>> -> memref<1x32x3968xf32, #tpu.memory_space<hbm>>
        %dma_start3A_521 = tpu.memref_squeeze %dma_start3A_520 : memref<1x32x3968xf32, #tpu.memory_space<hbm>> -> memref<32x3968xf32, #tpu.memory_space<hbm>>
        %dma_start3A_522 = arith.constant 0 : i32
        %dma_start3A_523 = arith.constant 0 : i32
        %dma_start3A_524 = tpu.memref_slice %arg2[%add3A_8, %dma_start3A_522, %dma_start3A_523] : memref<128x32x3968xf32, #tpu.memory_space<hbm>> -> memref<1x32x3968xf32, #tpu.memory_space<hbm>>
        %dma_start3A_525 = tpu.memref_squeeze %dma_start3A_524 : memref<1x32x3968xf32, #tpu.memory_space<hbm>> -> memref<32x3968xf32, #tpu.memory_space<hbm>>
        tpu.enqueue_dma source(%dma_start3A_525 : memref<32x3968xf32, #tpu.memory_space<hbm>>) target(%arg4 : memref<32x3968xf32, #tpu.memory_space<vmem>>) target_semaphore(%run_scoped3A : memref<!tpu.dma_semaphore, #tpu.memory_space<semaphore_mem>>)
        %dma_wait3A_526 = arith.constant 0 : i32
        %dma_wait3A_527 = arith.constant 0 : i32
        %dma_wait3A_528 = tpu.memref_slice %arg2[%add3A_8, %dma_wait3A_526, %dma_wait3A_527] : memref<128x32x3968xf32, #tpu.memory_space<hbm>> -> memref<1x32x3968xf32, #tpu.memory_space<hbm>>
        %dma_wait3A_529 = tpu.memref_squeeze %dma_wait3A_528 : memref<1x32x3968xf32, #tpu.memory_space<hbm>> -> memref<32x3968xf32, #tpu.memory_space<hbm>>
        %dma_wait3A_530 = arith.constant 0 : i32
        %dma_wait3A_531 = arith.constant 0 : i32
        %dma_wait3A_532 = tpu.memref_slice %arg2[%add3A_8, %dma_wait3A_530, %dma_wait3A_531] : memref<128x32x3968xf32, #tpu.memory_space<hbm>> -> memref<1x32x3968xf32, #tpu.memory_space<hbm>>
        %dma_wait3A_533 = tpu.memref_squeeze %dma_wait3A_532 : memref<1x32x3968xf32, #tpu.memory_space<hbm>> -> memref<32x3968xf32, #tpu.memory_space<hbm>>
        tpu.wait_dma2 semaphore(%run_scoped3A : memref<!tpu.dma_semaphore, #tpu.memory_space<semaphore_mem>>) src(%dma_wait3A_533 : memref<32x3968xf32, #tpu.memory_space<hbm>>) dst(%arg4 : memref<32x3968xf32, #tpu.memory_space<vmem>>)
        tpu.yield
      }) : () -> ()
      %sub3A = arith.constant 2047 : i32
      %sub3A_9 = arith.subi %sub3A, %add3A_8 : i32
      %sub3A_10 = arith.constant 0 : i32
      %sub3A_11 = arith.subi %sub3A_9, %sub3A_10 : i32
      %dma_start3A = arith.constant 0 : i32
      %dma_start3A_12 = arith.constant 0 : i32
      %dma_start3A_13 = tpu.memref_slice %arg4[%dma_start3A, %dma_start3A_12] : memref<32x3968xf32, #tpu.memory_space<vmem>> -> memref<32x2048xf32, #tpu.memory_space<vmem>>
      %dma_start3A_14 = arith.constant 0 : i32
      %dma_start3A_15 = arith.constant 0 : i32
      %dma_start3A_16 = tpu.memref_slice %arg3[%sub3A_11, %dma_start3A_14, %dma_start3A_15] : memref<2048x32x2048xf32, #tpu.memory_space<hbm>> -> memref<1x32x2048xf32, #tpu.memory_space<hbm>>
      %dma_start3A_17 = tpu.memref_squeeze %dma_start3A_16 : memref<1x32x2048xf32, #tpu.memory_space<hbm>> -> memref<32x2048xf32, #tpu.memory_space<hbm>>
      %dma_start3A_18 = arith.constant 0 : i32
      %dma_start3A_19 = arith.constant 0 : i32
      %dma_start3A_20 = tpu.memref_slice %arg3[%sub3A_11, %dma_start3A_18, %dma_start3A_19] : memref<2048x32x2048xf32, #tpu.memory_space<hbm>> -> memref<1x32x2048xf32, #tpu.memory_space<hbm>>
      %dma_start3A_21 = tpu.memref_squeeze %dma_start3A_20 : memref<1x32x2048xf32, #tpu.memory_space<hbm>> -> memref<32x2048xf32, #tpu.memory_space<hbm>>
      %dma_start3A_22 = arith.constant 0 : i32
      %dma_start3A_23 = arith.constant 0 : i32
      %dma_start3A_24 = tpu.memref_slice %arg4[%dma_start3A_22, %dma_start3A_23] : memref<32x3968xf32, #tpu.memory_space<vmem>> -> memref<32x2048xf32, #tpu.memory_space<vmem>>
      tpu.enqueue_dma source(%dma_start3A_24 : memref<32x2048xf32, #tpu.memory_space<vmem>>) target(%dma_start3A_21 : memref<32x2048xf32, #tpu.memory_space<hbm>>) target_semaphore(%arg5 : memref<!tpu.dma_semaphore, #tpu.memory_space<semaphore_mem>>)
      %sub3A_25 = arith.constant 2047 : i32
      %sub3A_26 = arith.subi %sub3A_25, %add3A_8 : i32
      %sub3A_27 = arith.constant 128 : i32
      %sub3A_28 = arith.subi %sub3A_26, %sub3A_27 : i32
      %dma_start3A_29 = arith.constant 0 : i32
      %dma_start3A_30 = arith.constant 128 : i32
      %dma_start3A_31 = tpu.memref_slice %arg4[%dma_start3A_29, %dma_start3A_30] : memref<32x3968xf32, #tpu.memory_space<vmem>> -> memref<32x2048xf32, #tpu.memory_space<vmem>>
      %dma_start3A_32 = arith.constant 0 : i32
      %dma_start3A_33 = arith.constant 0 : i32
      %dma_start3A_34 = tpu.memref_slice %arg3[%sub3A_28, %dma_start3A_32, %dma_start3A_33] : memref<2048x32x2048xf32, #tpu.memory_space<hbm>> -> memref<1x32x2048xf32, #tpu.memory_space<hbm>>
      %dma_start3A_35 = tpu.memref_squeeze %dma_start3A_34 : memref<1x32x2048xf32, #tpu.memory_space<hbm>> -> memref<32x2048xf32, #tpu.memory_space<hbm>>
      %dma_start3A_36 = arith.constant 0 : i32
      %dma_start3A_37 = arith.constant 0 : i32
      %dma_start3A_38 = tpu.memref_slice %arg3[%sub3A_28, %dma_start3A_36, %dma_start3A_37] : memref<2048x32x2048xf32, #tpu.memory_space<hbm>> -> memref<1x32x2048xf32, #tpu.memory_space<hbm>>
      %dma_start3A_39 = tpu.memref_squeeze %dma_start3A_38 : memref<1x32x2048xf32, #tpu.memory_space<hbm>> -> memref<32x2048xf32, #tpu.memory_space<hbm>>
      %dma_start3A_40 = arith.constant 0 : i32
      %dma_start3A_41 = arith.constant 128 : i32
      %dma_start3A_42 = tpu.memref_slice %arg4[%dma_start3A_40, %dma_start3A_41] : memref<32x3968xf32, #tpu.memory_space<vmem>> -> memref<32x2048xf32, #tpu.memory_space<vmem>>
      tpu.enqueue_dma source(%dma_start3A_42 : memref<32x2048xf32, #tpu.memory_space<vmem>>) target(%dma_start3A_39 : memref<32x2048xf32, #tpu.memory_space<hbm>>) target_semaphore(%arg5 : memref<!tpu.dma_semaphore, #tpu.memory_space<semaphore_mem>>)
      %sub3A_43 = arith.constant 2047 : i32
      %sub3A_44 = arith.subi %sub3A_43, %add3A_8 : i32
      %sub3A_45 = arith.constant 256 : i32
      %sub3A_46 = arith.subi %sub3A_44, %sub3A_45 : i32
      %dma_start3A_47 = arith.constant 0 : i32
      %dma_start3A_48 = arith.constant 256 : i32
      %dma_start3A_49 = tpu.memref_slice %arg4[%dma_start3A_47, %dma_start3A_48] : memref<32x3968xf32, #tpu.memory_space<vmem>> -> memref<32x2048xf32, #tpu.memory_space<vmem>>
      %dma_start3A_50 = arith.constant 0 : i32
      %dma_start3A_51 = arith.constant 0 : i32
      %dma_start3A_52 = tpu.memref_slice %arg3[%sub3A_46, %dma_start3A_50, %dma_start3A_51] : memref<2048x32x2048xf32, #tpu.memory_space<hbm>> -> memref<1x32x2048xf32, #tpu.memory_space<hbm>>
      %dma_start3A_53 = tpu.memref_squeeze %dma_start3A_52 : memref<1x32x2048xf32, #tpu.memory_space<hbm>> -> memref<32x2048xf32, #tpu.memory_space<hbm>>
      %dma_start3A_54 = arith.constant 0 : i32
      %dma_start3A_55 = arith.constant 0 : i32
      %dma_start3A_56 = tpu.memref_slice %arg3[%sub3A_46, %dma_start3A_54, %dma_start3A_55] : memref<2048x32x2048xf32, #tpu.memory_space<hbm>> -> memref<1x32x2048xf32, #tpu.memory_space<hbm>>
      %dma_start3A_57 = tpu.memref_squeeze %dma_start3A_56 : memref<1x32x2048xf32, #tpu.memory_space<hbm>> -> memref<32x2048xf32, #tpu.memory_space<hbm>>
      %dma_start3A_58 = arith.constant 0 : i32
      %dma_start3A_59 = arith.constant 256 : i32
      %dma_start3A_60 = tpu.memref_slice %arg4[%dma_start3A_58, %dma_start3A_59] : memref<32x3968xf32, #tpu.memory_space<vmem>> -> memref<32x2048xf32, #tpu.memory_space<vmem>>
      tpu.enqueue_dma source(%dma_start3A_60 : memref<32x2048xf32, #tpu.memory_space<vmem>>) target(%dma_start3A_57 : memref<32x2048xf32, #tpu.memory_space<hbm>>) target_semaphore(%arg5 : memref<!tpu.dma_semaphore, #tpu.memory_space<semaphore_mem>>)
      %sub3A_61 = arith.constant 2047 : i32
      %sub3A_62 = arith.subi %sub3A_61, %add3A_8 : i32
      %sub3A_63 = arith.constant 384 : i32
      %sub3A_64 = arith.subi %sub3A_62, %sub3A_63 : i32
      %dma_start3A_65 = arith.constant 0 : i32
      %dma_start3A_66 = arith.constant 384 : i32
      %dma_start3A_67 = tpu.memref_slice %arg4[%dma_start3A_65, %dma_start3A_66] : memref<32x3968xf32, #tpu.memory_space<vmem>> -> memref<32x2048xf32, #tpu.memory_space<vmem>>
      %dma_start3A_68 = arith.constant 0 : i32
      %dma_start3A_69 = arith.constant 0 : i32
      %dma_start3A_70 = tpu.memref_slice %arg3[%sub3A_64, %dma_start3A_68, %dma_start3A_69] : memref<2048x32x2048xf32, #tpu.memory_space<hbm>> -> memref<1x32x2048xf32, #tpu.memory_space<hbm>>
      %dma_start3A_71 = tpu.memref_squeeze %dma_start3A_70 : memref<1x32x2048xf32, #tpu.memory_space<hbm>> -> memref<32x2048xf32, #tpu.memory_space<hbm>>
      %dma_start3A_72 = arith.constant 0 : i32
      %dma_start3A_73 = arith.constant 0 : i32
      %dma_start3A_74 = tpu.memref_slice %arg3[%sub3A_64, %dma_start3A_72, %dma_start3A_73] : memref<2048x32x2048xf32, #tpu.memory_space<hbm>> -> memref<1x32x2048xf32, #tpu.memory_space<hbm>>
      %dma_start3A_75 = tpu.memref_squeeze %dma_start3A_74 : memref<1x32x2048xf32, #tpu.memory_space<hbm>> -> memref<32x2048xf32, #tpu.memory_space<hbm>>
      %dma_start3A_76 = arith.constant 0 : i32
      %dma_start3A_77 = arith.constant 384 : i32
      %dma_start3A_78 = tpu.memref_slice %arg4[%dma_start3A_76, %dma_start3A_77] : memref<32x3968xf32, #tpu.memory_space<vmem>> -> memref<32x2048xf32, #tpu.memory_space<vmem>>
      tpu.enqueue_dma source(%dma_start3A_78 : memref<32x2048xf32, #tpu.memory_space<vmem>>) target(%dma_start3A_75 : memref<32x2048xf32, #tpu.memory_space<hbm>>) target_semaphore(%arg5 : memref<!tpu.dma_semaphore, #tpu.memory_space<semaphore_mem>>)
      %sub3A_79 = arith.constant 2047 : i32
      %sub3A_80 = arith.subi %sub3A_79, %add3A_8 : i32
      %sub3A_81 = arith.constant 512 : i32
      %sub3A_82 = arith.subi %sub3A_80, %sub3A_81 : i32
      %dma_start3A_83 = arith.constant 0 : i32
      %dma_start3A_84 = arith.constant 512 : i32
      %dma_start3A_85 = tpu.memref_slice %arg4[%dma_start3A_83, %dma_start3A_84] : memref<32x3968xf32, #tpu.memory_space<vmem>> -> memref<32x2048xf32, #tpu.memory_space<vmem>>
      %dma_start3A_86 = arith.constant 0 : i32
      %dma_start3A_87 = arith.constant 0 : i32
      %dma_start3A_88 = tpu.memref_slice %arg3[%sub3A_82, %dma_start3A_86, %dma_start3A_87] : memref<2048x32x2048xf32, #tpu.memory_space<hbm>> -> memref<1x32x2048xf32, #tpu.memory_space<hbm>>
      %dma_start3A_89 = tpu.memref_squeeze %dma_start3A_88 : memref<1x32x2048xf32, #tpu.memory_space<hbm>> -> memref<32x2048xf32, #tpu.memory_space<hbm>>
      %dma_start3A_90 = arith.constant 0 : i32
      %dma_start3A_91 = arith.constant 0 : i32
      %dma_start3A_92 = tpu.memref_slice %arg3[%sub3A_82, %dma_start3A_90, %dma_start3A_91] : memref<2048x32x2048xf32, #tpu.memory_space<hbm>> -> memref<1x32x2048xf32, #tpu.memory_space<hbm>>
      %dma_start3A_93 = tpu.memref_squeeze %dma_start3A_92 : memref<1x32x2048xf32, #tpu.memory_space<hbm>> -> memref<32x2048xf32, #tpu.memory_space<hbm>>
      %dma_start3A_94 = arith.constant 0 : i32
      %dma_start3A_95 = arith.constant 512 : i32
      %dma_start3A_96 = tpu.memref_slice %arg4[%dma_start3A_94, %dma_start3A_95] : memref<32x3968xf32, #tpu.memory_space<vmem>> -> memref<32x2048xf32, #tpu.memory_space<vmem>>
      tpu.enqueue_dma source(%dma_start3A_96 : memref<32x2048xf32, #tpu.memory_space<vmem>>) target(%dma_start3A_93 : memref<32x2048xf32, #tpu.memory_space<hbm>>) target_semaphore(%arg5 : memref<!tpu.dma_semaphore, #tpu.memory_space<semaphore_mem>>)
      %sub3A_97 = arith.constant 2047 : i32
      %sub3A_98 = arith.subi %sub3A_97, %add3A_8 : i32
      %sub3A_99 = arith.constant 640 : i32
      %sub3A_100 = arith.subi %sub3A_98, %sub3A_99 : i32
      %dma_start3A_101 = arith.constant 0 : i32
      %dma_start3A_102 = arith.constant 640 : i32
      %dma_start3A_103 = tpu.memref_slice %arg4[%dma_start3A_101, %dma_start3A_102] : memref<32x3968xf32, #tpu.memory_space<vmem>> -> memref<32x2048xf32, #tpu.memory_space<vmem>>
      %dma_start3A_104 = arith.constant 0 : i32
      %dma_start3A_105 = arith.constant 0 : i32
      %dma_start3A_106 = tpu.memref_slice %arg3[%sub3A_100, %dma_start3A_104, %dma_start3A_105] : memref<2048x32x2048xf32, #tpu.memory_space<hbm>> -> memref<1x32x2048xf32, #tpu.memory_space<hbm>>
      %dma_start3A_107 = tpu.memref_squeeze %dma_start3A_106 : memref<1x32x2048xf32, #tpu.memory_space<hbm>> -> memref<32x2048xf32, #tpu.memory_space<hbm>>
      %dma_start3A_108 = arith.constant 0 : i32
      %dma_start3A_109 = arith.constant 0 : i32
      %dma_start3A_110 = tpu.memref_slice %arg3[%sub3A_100, %dma_start3A_108, %dma_start3A_109] : memref<2048x32x2048xf32, #tpu.memory_space<hbm>> -> memref<1x32x2048xf32, #tpu.memory_space<hbm>>
      %dma_start3A_111 = tpu.memref_squeeze %dma_start3A_110 : memref<1x32x2048xf32, #tpu.memory_space<hbm>> -> memref<32x2048xf32, #tpu.memory_space<hbm>>
      %dma_start3A_112 = arith.constant 0 : i32
      %dma_start3A_113 = arith.constant 640 : i32
      %dma_start3A_114 = tpu.memref_slice %arg4[%dma_start3A_112, %dma_start3A_113] : memref<32x3968xf32, #tpu.memory_space<vmem>> -> memref<32x2048xf32, #tpu.memory_space<vmem>>
      tpu.enqueue_dma source(%dma_start3A_114 : memref<32x2048xf32, #tpu.memory_space<vmem>>) target(%dma_start3A_111 : memref<32x2048xf32, #tpu.memory_space<hbm>>) target_semaphore(%arg5 : memref<!tpu.dma_semaphore, #tpu.memory_space<semaphore_mem>>)
      %sub3A_115 = arith.constant 2047 : i32
      %sub3A_116 = arith.subi %sub3A_115, %add3A_8 : i32
      %sub3A_117 = arith.constant 768 : i32
      %sub3A_118 = arith.subi %sub3A_116, %sub3A_117 : i32
      %dma_start3A_119 = arith.constant 0 : i32
      %dma_start3A_120 = arith.constant 768 : i32
      %dma_start3A_121 = tpu.memref_slice %arg4[%dma_start3A_119, %dma_start3A_120] : memref<32x3968xf32, #tpu.memory_space<vmem>> -> memref<32x2048xf32, #tpu.memory_space<vmem>>
      %dma_start3A_122 = arith.constant 0 : i32
      %dma_start3A_123 = arith.constant 0 : i32
      %dma_start3A_124 = tpu.memref_slice %arg3[%sub3A_118, %dma_start3A_122, %dma_start3A_123] : memref<2048x32x2048xf32, #tpu.memory_space<hbm>> -> memref<1x32x2048xf32, #tpu.memory_space<hbm>>
      %dma_start3A_125 = tpu.memref_squeeze %dma_start3A_124 : memref<1x32x2048xf32, #tpu.memory_space<hbm>> -> memref<32x2048xf32, #tpu.memory_space<hbm>>
      %dma_start3A_126 = arith.constant 0 : i32
      %dma_start3A_127 = arith.constant 0 : i32
      %dma_start3A_128 = tpu.memref_slice %arg3[%sub3A_118, %dma_start3A_126, %dma_start3A_127] : memref<2048x32x2048xf32, #tpu.memory_space<hbm>> -> memref<1x32x2048xf32, #tpu.memory_space<hbm>>
      %dma_start3A_129 = tpu.memref_squeeze %dma_start3A_128 : memref<1x32x2048xf32, #tpu.memory_space<hbm>> -> memref<32x2048xf32, #tpu.memory_space<hbm>>
      %dma_start3A_130 = arith.constant 0 : i32
      %dma_start3A_131 = arith.constant 768 : i32
      %dma_start3A_132 = tpu.memref_slice %arg4[%dma_start3A_130, %dma_start3A_131] : memref<32x3968xf32, #tpu.memory_space<vmem>> -> memref<32x2048xf32, #tpu.memory_space<vmem>>
      tpu.enqueue_dma source(%dma_start3A_132 : memref<32x2048xf32, #tpu.memory_space<vmem>>) target(%dma_start3A_129 : memref<32x2048xf32, #tpu.memory_space<hbm>>) target_semaphore(%arg5 : memref<!tpu.dma_semaphore, #tpu.memory_space<semaphore_mem>>)
      %sub3A_133 = arith.constant 2047 : i32
      %sub3A_134 = arith.subi %sub3A_133, %add3A_8 : i32
      %sub3A_135 = arith.constant 896 : i32
      %sub3A_136 = arith.subi %sub3A_134, %sub3A_135 : i32
      %dma_start3A_137 = arith.constant 0 : i32
      %dma_start3A_138 = arith.constant 896 : i32
      %dma_start3A_139 = tpu.memref_slice %arg4[%dma_start3A_137, %dma_start3A_138] : memref<32x3968xf32, #tpu.memory_space<vmem>> -> memref<32x2048xf32, #tpu.memory_space<vmem>>
      %dma_start3A_140 = arith.constant 0 : i32
      %dma_start3A_141 = arith.constant 0 : i32
      %dma_start3A_142 = tpu.memref_slice %arg3[%sub3A_136, %dma_start3A_140, %dma_start3A_141] : memref<2048x32x2048xf32, #tpu.memory_space<hbm>> -> memref<1x32x2048xf32, #tpu.memory_space<hbm>>
      %dma_start3A_143 = tpu.memref_squeeze %dma_start3A_142 : memref<1x32x2048xf32, #tpu.memory_space<hbm>> -> memref<32x2048xf32, #tpu.memory_space<hbm>>
      %dma_start3A_144 = arith.constant 0 : i32
      %dma_start3A_145 = arith.constant 0 : i32
      %dma_start3A_146 = tpu.memref_slice %arg3[%sub3A_136, %dma_start3A_144, %dma_start3A_145] : memref<2048x32x2048xf32, #tpu.memory_space<hbm>> -> memref<1x32x2048xf32, #tpu.memory_space<hbm>>
      %dma_start3A_147 = tpu.memref_squeeze %dma_start3A_146 : memref<1x32x2048xf32, #tpu.memory_space<hbm>> -> memref<32x2048xf32, #tpu.memory_space<hbm>>
      %dma_start3A_148 = arith.constant 0 : i32
      %dma_start3A_149 = arith.constant 896 : i32
      %dma_start3A_150 = tpu.memref_slice %arg4[%dma_start3A_148, %dma_start3A_149] : memref<32x3968xf32, #tpu.memory_space<vmem>> -> memref<32x2048xf32, #tpu.memory_space<vmem>>
      tpu.enqueue_dma source(%dma_start3A_150 : memref<32x2048xf32, #tpu.memory_space<vmem>>) target(%dma_start3A_147 : memref<32x2048xf32, #tpu.memory_space<hbm>>) target_semaphore(%arg5 : memref<!tpu.dma_semaphore, #tpu.memory_space<semaphore_mem>>)
      %sub3A_151 = arith.constant 2047 : i32
      %sub3A_152 = arith.subi %sub3A_151, %add3A_8 : i32
      %sub3A_153 = arith.constant 1024 : i32
      %sub3A_154 = arith.subi %sub3A_152, %sub3A_153 : i32
      %dma_start3A_155 = arith.constant 0 : i32
      %dma_start3A_156 = arith.constant 1024 : i32
      %dma_start3A_157 = tpu.memref_slice %arg4[%dma_start3A_155, %dma_start3A_156] : memref<32x3968xf32, #tpu.memory_space<vmem>> -> memref<32x2048xf32, #tpu.memory_space<vmem>>
      %dma_start3A_158 = arith.constant 0 : i32
      %dma_start3A_159 = arith.constant 0 : i32
      %dma_start3A_160 = tpu.memref_slice %arg3[%sub3A_154, %dma_start3A_158, %dma_start3A_159] : memref<2048x32x2048xf32, #tpu.memory_space<hbm>> -> memref<1x32x2048xf32, #tpu.memory_space<hbm>>
      %dma_start3A_161 = tpu.memref_squeeze %dma_start3A_160 : memref<1x32x2048xf32, #tpu.memory_space<hbm>> -> memref<32x2048xf32, #tpu.memory_space<hbm>>
      %dma_start3A_162 = arith.constant 0 : i32
      %dma_start3A_163 = arith.constant 0 : i32
      %dma_start3A_164 = tpu.memref_slice %arg3[%sub3A_154, %dma_start3A_162, %dma_start3A_163] : memref<2048x32x2048xf32, #tpu.memory_space<hbm>> -> memref<1x32x2048xf32, #tpu.memory_space<hbm>>
      %dma_start3A_165 = tpu.memref_squeeze %dma_start3A_164 : memref<1x32x2048xf32, #tpu.memory_space<hbm>> -> memref<32x2048xf32, #tpu.memory_space<hbm>>
      %dma_start3A_166 = arith.constant 0 : i32
      %dma_start3A_167 = arith.constant 1024 : i32
      %dma_start3A_168 = tpu.memref_slice %arg4[%dma_start3A_166, %dma_start3A_167] : memref<32x3968xf32, #tpu.memory_space<vmem>> -> memref<32x2048xf32, #tpu.memory_space<vmem>>
      tpu.enqueue_dma source(%dma_start3A_168 : memref<32x2048xf32, #tpu.memory_space<vmem>>) target(%dma_start3A_165 : memref<32x2048xf32, #tpu.memory_space<hbm>>) target_semaphore(%arg5 : memref<!tpu.dma_semaphore, #tpu.memory_space<semaphore_mem>>)
      %sub3A_169 = arith.constant 2047 : i32
      %sub3A_170 = arith.subi %sub3A_169, %add3A_8 : i32
      %sub3A_171 = arith.constant 1152 : i32
      %sub3A_172 = arith.subi %sub3A_170, %sub3A_171 : i32
      %dma_start3A_173 = arith.constant 0 : i32
      %dma_start3A_174 = arith.constant 1152 : i32
      %dma_start3A_175 = tpu.memref_slice %arg4[%dma_start3A_173, %dma_start3A_174] : memref<32x3968xf32, #tpu.memory_space<vmem>> -> memref<32x2048xf32, #tpu.memory_space<vmem>>
      %dma_start3A_176 = arith.constant 0 : i32
      %dma_start3A_177 = arith.constant 0 : i32
      %dma_start3A_178 = tpu.memref_slice %arg3[%sub3A_172, %dma_start3A_176, %dma_start3A_177] : memref<2048x32x2048xf32, #tpu.memory_space<hbm>> -> memref<1x32x2048xf32, #tpu.memory_space<hbm>>
      %dma_start3A_179 = tpu.memref_squeeze %dma_start3A_178 : memref<1x32x2048xf32, #tpu.memory_space<hbm>> -> memref<32x2048xf32, #tpu.memory_space<hbm>>
      %dma_start3A_180 = arith.constant 0 : i32
      %dma_start3A_181 = arith.constant 0 : i32
      %dma_start3A_182 = tpu.memref_slice %arg3[%sub3A_172, %dma_start3A_180, %dma_start3A_181] : memref<2048x32x2048xf32, #tpu.memory_space<hbm>> -> memref<1x32x2048xf32, #tpu.memory_space<hbm>>
      %dma_start3A_183 = tpu.memref_squeeze %dma_start3A_182 : memref<1x32x2048xf32, #tpu.memory_space<hbm>> -> memref<32x2048xf32, #tpu.memory_space<hbm>>
      %dma_start3A_184 = arith.constant 0 : i32
      %dma_start3A_185 = arith.constant 1152 : i32
      %dma_start3A_186 = tpu.memref_slice %arg4[%dma_start3A_184, %dma_start3A_185] : memref<32x3968xf32, #tpu.memory_space<vmem>> -> memref<32x2048xf32, #tpu.memory_space<vmem>>
      tpu.enqueue_dma source(%dma_start3A_186 : memref<32x2048xf32, #tpu.memory_space<vmem>>) target(%dma_start3A_183 : memref<32x2048xf32, #tpu.memory_space<hbm>>) target_semaphore(%arg5 : memref<!tpu.dma_semaphore, #tpu.memory_space<semaphore_mem>>)
      %sub3A_187 = arith.constant 2047 : i32
      %sub3A_188 = arith.subi %sub3A_187, %add3A_8 : i32
      %sub3A_189 = arith.constant 1280 : i32
      %sub3A_190 = arith.subi %sub3A_188, %sub3A_189 : i32
      %dma_start3A_191 = arith.constant 0 : i32
      %dma_start3A_192 = arith.constant 1280 : i32
      %dma_start3A_193 = tpu.memref_slice %arg4[%dma_start3A_191, %dma_start3A_192] : memref<32x3968xf32, #tpu.memory_space<vmem>> -> memref<32x2048xf32, #tpu.memory_space<vmem>>
      %dma_start3A_194 = arith.constant 0 : i32
      %dma_start3A_195 = arith.constant 0 : i32
      %dma_start3A_196 = tpu.memref_slice %arg3[%sub3A_190, %dma_start3A_194, %dma_start3A_195] : memref<2048x32x2048xf32, #tpu.memory_space<hbm>> -> memref<1x32x2048xf32, #tpu.memory_space<hbm>>
      %dma_start3A_197 = tpu.memref_squeeze %dma_start3A_196 : memref<1x32x2048xf32, #tpu.memory_space<hbm>> -> memref<32x2048xf32, #tpu.memory_space<hbm>>
      %dma_start3A_198 = arith.constant 0 : i32
      %dma_start3A_199 = arith.constant 0 : i32
      %dma_start3A_200 = tpu.memref_slice %arg3[%sub3A_190, %dma_start3A_198, %dma_start3A_199] : memref<2048x32x2048xf32, #tpu.memory_space<hbm>> -> memref<1x32x2048xf32, #tpu.memory_space<hbm>>
      %dma_start3A_201 = tpu.memref_squeeze %dma_start3A_200 : memref<1x32x2048xf32, #tpu.memory_space<hbm>> -> memref<32x2048xf32, #tpu.memory_space<hbm>>
      %dma_start3A_202 = arith.constant 0 : i32
      %dma_start3A_203 = arith.constant 1280 : i32
      %dma_start3A_204 = tpu.memref_slice %arg4[%dma_start3A_202, %dma_start3A_203] : memref<32x3968xf32, #tpu.memory_space<vmem>> -> memref<32x2048xf32, #tpu.memory_space<vmem>>
      tpu.enqueue_dma source(%dma_start3A_204 : memref<32x2048xf32, #tpu.memory_space<vmem>>) target(%dma_start3A_201 : memref<32x2048xf32, #tpu.memory_space<hbm>>) target_semaphore(%arg5 : memref<!tpu.dma_semaphore, #tpu.memory_space<semaphore_mem>>)
      %sub3A_205 = arith.constant 2047 : i32
      %sub3A_206 = arith.subi %sub3A_205, %add3A_8 : i32
      %sub3A_207 = arith.constant 1408 : i32
      %sub3A_208 = arith.subi %sub3A_206, %sub3A_207 : i32
      %dma_start3A_209 = arith.constant 0 : i32
      %dma_start3A_210 = arith.constant 1408 : i32
      %dma_start3A_211 = tpu.memref_slice %arg4[%dma_start3A_209, %dma_start3A_210] : memref<32x3968xf32, #tpu.memory_space<vmem>> -> memref<32x2048xf32, #tpu.memory_space<vmem>>
      %dma_start3A_212 = arith.constant 0 : i32
      %dma_start3A_213 = arith.constant 0 : i32
      %dma_start3A_214 = tpu.memref_slice %arg3[%sub3A_208, %dma_start3A_212, %dma_start3A_213] : memref<2048x32x2048xf32, #tpu.memory_space<hbm>> -> memref<1x32x2048xf32, #tpu.memory_space<hbm>>
      %dma_start3A_215 = tpu.memref_squeeze %dma_start3A_214 : memref<1x32x2048xf32, #tpu.memory_space<hbm>> -> memref<32x2048xf32, #tpu.memory_space<hbm>>
      %dma_start3A_216 = arith.constant 0 : i32
      %dma_start3A_217 = arith.constant 0 : i32
      %dma_start3A_218 = tpu.memref_slice %arg3[%sub3A_208, %dma_start3A_216, %dma_start3A_217] : memref<2048x32x2048xf32, #tpu.memory_space<hbm>> -> memref<1x32x2048xf32, #tpu.memory_space<hbm>>
      %dma_start3A_219 = tpu.memref_squeeze %dma_start3A_218 : memref<1x32x2048xf32, #tpu.memory_space<hbm>> -> memref<32x2048xf32, #tpu.memory_space<hbm>>
      %dma_start3A_220 = arith.constant 0 : i32
      %dma_start3A_221 = arith.constant 1408 : i32
      %dma_start3A_222 = tpu.memref_slice %arg4[%dma_start3A_220, %dma_start3A_221] : memref<32x3968xf32, #tpu.memory_space<vmem>> -> memref<32x2048xf32, #tpu.memory_space<vmem>>
      tpu.enqueue_dma source(%dma_start3A_222 : memref<32x2048xf32, #tpu.memory_space<vmem>>) target(%dma_start3A_219 : memref<32x2048xf32, #tpu.memory_space<hbm>>) target_semaphore(%arg5 : memref<!tpu.dma_semaphore, #tpu.memory_space<semaphore_mem>>)
      %sub3A_223 = arith.constant 2047 : i32
      %sub3A_224 = arith.subi %sub3A_223, %add3A_8 : i32
      %sub3A_225 = arith.constant 1536 : i32
      %sub3A_226 = arith.subi %sub3A_224, %sub3A_225 : i32
      %dma_start3A_227 = arith.constant 0 : i32
      %dma_start3A_228 = arith.constant 1536 : i32
      %dma_start3A_229 = tpu.memref_slice %arg4[%dma_start3A_227, %dma_start3A_228] : memref<32x3968xf32, #tpu.memory_space<vmem>> -> memref<32x2048xf32, #tpu.memory_space<vmem>>
      %dma_start3A_230 = arith.constant 0 : i32
      %dma_start3A_231 = arith.constant 0 : i32
      %dma_start3A_232 = tpu.memref_slice %arg3[%sub3A_226, %dma_start3A_230, %dma_start3A_231] : memref<2048x32x2048xf32, #tpu.memory_space<hbm>> -> memref<1x32x2048xf32, #tpu.memory_space<hbm>>
      %dma_start3A_233 = tpu.memref_squeeze %dma_start3A_232 : memref<1x32x2048xf32, #tpu.memory_space<hbm>> -> memref<32x2048xf32, #tpu.memory_space<hbm>>
      %dma_start3A_234 = arith.constant 0 : i32
      %dma_start3A_235 = arith.constant 0 : i32
      %dma_start3A_236 = tpu.memref_slice %arg3[%sub3A_226, %dma_start3A_234, %dma_start3A_235] : memref<2048x32x2048xf32, #tpu.memory_space<hbm>> -> memref<1x32x2048xf32, #tpu.memory_space<hbm>>
      %dma_start3A_237 = tpu.memref_squeeze %dma_start3A_236 : memref<1x32x2048xf32, #tpu.memory_space<hbm>> -> memref<32x2048xf32, #tpu.memory_space<hbm>>
      %dma_start3A_238 = arith.constant 0 : i32
      %dma_start3A_239 = arith.constant 1536 : i32
      %dma_start3A_240 = tpu.memref_slice %arg4[%dma_start3A_238, %dma_start3A_239] : memref<32x3968xf32, #tpu.memory_space<vmem>> -> memref<32x2048xf32, #tpu.memory_space<vmem>>
      tpu.enqueue_dma source(%dma_start3A_240 : memref<32x2048xf32, #tpu.memory_space<vmem>>) target(%dma_start3A_237 : memref<32x2048xf32, #tpu.memory_space<hbm>>) target_semaphore(%arg5 : memref<!tpu.dma_semaphore, #tpu.memory_space<semaphore_mem>>)
      %sub3A_241 = arith.constant 2047 : i32
      %sub3A_242 = arith.subi %sub3A_241, %add3A_8 : i32
      %sub3A_243 = arith.constant 1664 : i32
      %sub3A_244 = arith.subi %sub3A_242, %sub3A_243 : i32
      %dma_start3A_245 = arith.constant 0 : i32
      %dma_start3A_246 = arith.constant 1664 : i32
      %dma_start3A_247 = tpu.memref_slice %arg4[%dma_start3A_245, %dma_start3A_246] : memref<32x3968xf32, #tpu.memory_space<vmem>> -> memref<32x2048xf32, #tpu.memory_space<vmem>>
      %dma_start3A_248 = arith.constant 0 : i32
      %dma_start3A_249 = arith.constant 0 : i32
      %dma_start3A_250 = tpu.memref_slice %arg3[%sub3A_244, %dma_start3A_248, %dma_start3A_249] : memref<2048x32x2048xf32, #tpu.memory_space<hbm>> -> memref<1x32x2048xf32, #tpu.memory_space<hbm>>
      %dma_start3A_251 = tpu.memref_squeeze %dma_start3A_250 : memref<1x32x2048xf32, #tpu.memory_space<hbm>> -> memref<32x2048xf32, #tpu.memory_space<hbm>>
      %dma_start3A_252 = arith.constant 0 : i32
      %dma_start3A_253 = arith.constant 0 : i32
      %dma_start3A_254 = tpu.memref_slice %arg3[%sub3A_244, %dma_start3A_252, %dma_start3A_253] : memref<2048x32x2048xf32, #tpu.memory_space<hbm>> -> memref<1x32x2048xf32, #tpu.memory_space<hbm>>
      %dma_start3A_255 = tpu.memref_squeeze %dma_start3A_254 : memref<1x32x2048xf32, #tpu.memory_space<hbm>> -> memref<32x2048xf32, #tpu.memory_space<hbm>>
      %dma_start3A_256 = arith.constant 0 : i32
      %dma_start3A_257 = arith.constant 1664 : i32
      %dma_start3A_258 = tpu.memref_slice %arg4[%dma_start3A_256, %dma_start3A_257] : memref<32x3968xf32, #tpu.memory_space<vmem>> -> memref<32x2048xf32, #tpu.memory_space<vmem>>
      tpu.enqueue_dma source(%dma_start3A_258 : memref<32x2048xf32, #tpu.memory_space<vmem>>) target(%dma_start3A_255 : memref<32x2048xf32, #tpu.memory_space<hbm>>) target_semaphore(%arg5 : memref<!tpu.dma_semaphore, #tpu.memory_space<semaphore_mem>>)
      %sub3A_259 = arith.constant 2047 : i32
      %sub3A_260 = arith.subi %sub3A_259, %add3A_8 : i32
      %sub3A_261 = arith.constant 1792 : i32
      %sub3A_262 = arith.subi %sub3A_260, %sub3A_261 : i32
      %dma_start3A_263 = arith.constant 0 : i32
      %dma_start3A_264 = arith.constant 1792 : i32
      %dma_start3A_265 = tpu.memref_slice %arg4[%dma_start3A_263, %dma_start3A_264] : memref<32x3968xf32, #tpu.memory_space<vmem>> -> memref<32x2048xf32, #tpu.memory_space<vmem>>
      %dma_start3A_266 = arith.constant 0 : i32
      %dma_start3A_267 = arith.constant 0 : i32
      %dma_start3A_268 = tpu.memref_slice %arg3[%sub3A_262, %dma_start3A_266, %dma_start3A_267] : memref<2048x32x2048xf32, #tpu.memory_space<hbm>> -> memref<1x32x2048xf32, #tpu.memory_space<hbm>>
      %dma_start3A_269 = tpu.memref_squeeze %dma_start3A_268 : memref<1x32x2048xf32, #tpu.memory_space<hbm>> -> memref<32x2048xf32, #tpu.memory_space<hbm>>
      %dma_start3A_270 = arith.constant 0 : i32
      %dma_start3A_271 = arith.constant 0 : i32
      %dma_start3A_272 = tpu.memref_slice %arg3[%sub3A_262, %dma_start3A_270, %dma_start3A_271] : memref<2048x32x2048xf32, #tpu.memory_space<hbm>> -> memref<1x32x2048xf32, #tpu.memory_space<hbm>>
      %dma_start3A_273 = tpu.memref_squeeze %dma_start3A_272 : memref<1x32x2048xf32, #tpu.memory_space<hbm>> -> memref<32x2048xf32, #tpu.memory_space<hbm>>
      %dma_start3A_274 = arith.constant 0 : i32
      %dma_start3A_275 = arith.constant 1792 : i32
      %dma_start3A_276 = tpu.memref_slice %arg4[%dma_start3A_274, %dma_start3A_275] : memref<32x3968xf32, #tpu.memory_space<vmem>> -> memref<32x2048xf32, #tpu.memory_space<vmem>>
      tpu.enqueue_dma source(%dma_start3A_276 : memref<32x2048xf32, #tpu.memory_space<vmem>>) target(%dma_start3A_273 : memref<32x2048xf32, #tpu.memory_space<hbm>>) target_semaphore(%arg5 : memref<!tpu.dma_semaphore, #tpu.memory_space<semaphore_mem>>)
      %sub3A_277 = arith.constant 2047 : i32
      %sub3A_278 = arith.subi %sub3A_277, %add3A_8 : i32
      %sub3A_279 = arith.constant 1920 : i32
      %sub3A_280 = arith.subi %sub3A_278, %sub3A_279 : i32
      %dma_start3A_281 = arith.constant 0 : i32
      %dma_start3A_282 = arith.constant 1920 : i32
      %dma_start3A_283 = tpu.memref_slice %arg4[%dma_start3A_281, %dma_start3A_282] : memref<32x3968xf32, #tpu.memory_space<vmem>> -> memref<32x2048xf32, #tpu.memory_space<vmem>>
      %dma_start3A_284 = arith.constant 0 : i32
      %dma_start3A_285 = arith.constant 0 : i32
      %dma_start3A_286 = tpu.memref_slice %arg3[%sub3A_280, %dma_start3A_284, %dma_start3A_285] : memref<2048x32x2048xf32, #tpu.memory_space<hbm>> -> memref<1x32x2048xf32, #tpu.memory_space<hbm>>
      %dma_start3A_287 = tpu.memref_squeeze %dma_start3A_286 : memref<1x32x2048xf32, #tpu.memory_space<hbm>> -> memref<32x2048xf32, #tpu.memory_space<hbm>>
      %dma_start3A_288 = arith.constant 0 : i32
      %dma_start3A_289 = arith.constant 0 : i32
      %dma_start3A_290 = tpu.memref_slice %arg3[%sub3A_280, %dma_start3A_288, %dma_start3A_289] : memref<2048x32x2048xf32, #tpu.memory_space<hbm>> -> memref<1x32x2048xf32, #tpu.memory_space<hbm>>
      %dma_start3A_291 = tpu.memref_squeeze %dma_start3A_290 : memref<1x32x2048xf32, #tpu.memory_space<hbm>> -> memref<32x2048xf32, #tpu.memory_space<hbm>>
      %dma_start3A_292 = arith.constant 0 : i32
      %dma_start3A_293 = arith.constant 1920 : i32
      %dma_start3A_294 = tpu.memref_slice %arg4[%dma_start3A_292, %dma_start3A_293] : memref<32x3968xf32, #tpu.memory_space<vmem>> -> memref<32x2048xf32, #tpu.memory_space<vmem>>
      tpu.enqueue_dma source(%dma_start3A_294 : memref<32x2048xf32, #tpu.memory_space<vmem>>) target(%dma_start3A_291 : memref<32x2048xf32, #tpu.memory_space<hbm>>) target_semaphore(%arg5 : memref<!tpu.dma_semaphore, #tpu.memory_space<semaphore_mem>>)
      %dma_wait3A = arith.constant 0 : i32
      %dma_wait3A_295 = arith.constant 0 : i32
      %dma_wait3A_296 = tpu.memref_slice %arg4[%dma_wait3A, %dma_wait3A_295] : memref<32x3968xf32, #tpu.memory_space<vmem>> -> memref<32x2048xf32, #tpu.memory_space<vmem>>
      %dma_wait3A_297 = arith.constant 0 : i32
      %dma_wait3A_298 = arith.constant 0 : i32
      %dma_wait3A_299 = tpu.memref_slice %arg3[%sub3A_11, %dma_wait3A_297, %dma_wait3A_298] : memref<2048x32x2048xf32, #tpu.memory_space<hbm>> -> memref<1x32x2048xf32, #tpu.memory_space<hbm>>
      %dma_wait3A_300 = tpu.memref_squeeze %dma_wait3A_299 : memref<1x32x2048xf32, #tpu.memory_space<hbm>> -> memref<32x2048xf32, #tpu.memory_space<hbm>>
      %dma_wait3A_301 = arith.constant 0 : i32
      %dma_wait3A_302 = arith.constant 0 : i32
      %dma_wait3A_303 = tpu.memref_slice %arg3[%sub3A_11, %dma_wait3A_301, %dma_wait3A_302] : memref<2048x32x2048xf32, #tpu.memory_space<hbm>> -> memref<1x32x2048xf32, #tpu.memory_space<hbm>>
      %dma_wait3A_304 = tpu.memref_squeeze %dma_wait3A_303 : memref<1x32x2048xf32, #tpu.memory_space<hbm>> -> memref<32x2048xf32, #tpu.memory_space<hbm>>
      %dma_wait3A_305 = arith.constant 0 : i32
      %dma_wait3A_306 = arith.constant 0 : i32
      %dma_wait3A_307 = tpu.memref_slice %arg4[%dma_wait3A_305, %dma_wait3A_306] : memref<32x3968xf32, #tpu.memory_space<vmem>> -> memref<32x2048xf32, #tpu.memory_space<vmem>>
      tpu.wait_dma2 semaphore(%arg5 : memref<!tpu.dma_semaphore, #tpu.memory_space<semaphore_mem>>) src(%dma_wait3A_307 : memref<32x2048xf32, #tpu.memory_space<vmem>>) dst(%dma_wait3A_304 : memref<32x2048xf32, #tpu.memory_space<hbm>>)
      %dma_wait3A_308 = arith.constant 0 : i32
      %dma_wait3A_309 = arith.constant 128 : i32
      %dma_wait3A_310 = tpu.memref_slice %arg4[%dma_wait3A_308, %dma_wait3A_309] : memref<32x3968xf32, #tpu.memory_space<vmem>> -> memref<32x2048xf32, #tpu.memory_space<vmem>>
      %dma_wait3A_311 = arith.constant 0 : i32
      %dma_wait3A_312 = arith.constant 0 : i32
      %dma_wait3A_313 = tpu.memref_slice %arg3[%sub3A_28, %dma_wait3A_311, %dma_wait3A_312] : memref<2048x32x2048xf32, #tpu.memory_space<hbm>> -> memref<1x32x2048xf32, #tpu.memory_space<hbm>>
      %dma_wait3A_314 = tpu.memref_squeeze %dma_wait3A_313 : memref<1x32x2048xf32, #tpu.memory_space<hbm>> -> memref<32x2048xf32, #tpu.memory_space<hbm>>
      %dma_wait3A_315 = arith.constant 0 : i32
      %dma_wait3A_316 = arith.constant 0 : i32
      %dma_wait3A_317 = tpu.memref_slice %arg3[%sub3A_28, %dma_wait3A_315, %dma_wait3A_316] : memref<2048x32x2048xf32, #tpu.memory_space<hbm>> -> memref<1x32x2048xf32, #tpu.memory_space<hbm>>
      %dma_wait3A_318 = tpu.memref_squeeze %dma_wait3A_317 : memref<1x32x2048xf32, #tpu.memory_space<hbm>> -> memref<32x2048xf32, #tpu.memory_space<hbm>>
      %dma_wait3A_319 = arith.constant 0 : i32
      %dma_wait3A_320 = arith.constant 128 : i32
      %dma_wait3A_321 = tpu.memref_slice %arg4[%dma_wait3A_319, %dma_wait3A_320] : memref<32x3968xf32, #tpu.memory_space<vmem>> -> memref<32x2048xf32, #tpu.memory_space<vmem>>
      tpu.wait_dma2 semaphore(%arg5 : memref<!tpu.dma_semaphore, #tpu.memory_space<semaphore_mem>>) src(%dma_wait3A_321 : memref<32x2048xf32, #tpu.memory_space<vmem>>) dst(%dma_wait3A_318 : memref<32x2048xf32, #tpu.memory_space<hbm>>)
      %dma_wait3A_322 = arith.constant 0 : i32
      %dma_wait3A_323 = arith.constant 256 : i32
      %dma_wait3A_324 = tpu.memref_slice %arg4[%dma_wait3A_322, %dma_wait3A_323] : memref<32x3968xf32, #tpu.memory_space<vmem>> -> memref<32x2048xf32, #tpu.memory_space<vmem>>
      %dma_wait3A_325 = arith.constant 0 : i32
      %dma_wait3A_326 = arith.constant 0 : i32
      %dma_wait3A_327 = tpu.memref_slice %arg3[%sub3A_46, %dma_wait3A_325, %dma_wait3A_326] : memref<2048x32x2048xf32, #tpu.memory_space<hbm>> -> memref<1x32x2048xf32, #tpu.memory_space<hbm>>
      %dma_wait3A_328 = tpu.memref_squeeze %dma_wait3A_327 : memref<1x32x2048xf32, #tpu.memory_space<hbm>> -> memref<32x2048xf32, #tpu.memory_space<hbm>>
      %dma_wait3A_329 = arith.constant 0 : i32
      %dma_wait3A_330 = arith.constant 0 : i32
      %dma_wait3A_331 = tpu.memref_slice %arg3[%sub3A_46, %dma_wait3A_329, %dma_wait3A_330] : memref<2048x32x2048xf32, #tpu.memory_space<hbm>> -> memref<1x32x2048xf32, #tpu.memory_space<hbm>>
      %dma_wait3A_332 = tpu.memref_squeeze %dma_wait3A_331 : memref<1x32x2048xf32, #tpu.memory_space<hbm>> -> memref<32x2048xf32, #tpu.memory_space<hbm>>
      %dma_wait3A_333 = arith.constant 0 : i32
      %dma_wait3A_334 = arith.constant 256 : i32
      %dma_wait3A_335 = tpu.memref_slice %arg4[%dma_wait3A_333, %dma_wait3A_334] : memref<32x3968xf32, #tpu.memory_space<vmem>> -> memref<32x2048xf32, #tpu.memory_space<vmem>>
      tpu.wait_dma2 semaphore(%arg5 : memref<!tpu.dma_semaphore, #tpu.memory_space<semaphore_mem>>) src(%dma_wait3A_335 : memref<32x2048xf32, #tpu.memory_space<vmem>>) dst(%dma_wait3A_332 : memref<32x2048xf32, #tpu.memory_space<hbm>>)
      %dma_wait3A_336 = arith.constant 0 : i32
      %dma_wait3A_337 = arith.constant 384 : i32
      %dma_wait3A_338 = tpu.memref_slice %arg4[%dma_wait3A_336, %dma_wait3A_337] : memref<32x3968xf32, #tpu.memory_space<vmem>> -> memref<32x2048xf32, #tpu.memory_space<vmem>>
      %dma_wait3A_339 = arith.constant 0 : i32
      %dma_wait3A_340 = arith.constant 0 : i32
      %dma_wait3A_341 = tpu.memref_slice %arg3[%sub3A_64, %dma_wait3A_339, %dma_wait3A_340] : memref<2048x32x2048xf32, #tpu.memory_space<hbm>> -> memref<1x32x2048xf32, #tpu.memory_space<hbm>>
      %dma_wait3A_342 = tpu.memref_squeeze %dma_wait3A_341 : memref<1x32x2048xf32, #tpu.memory_space<hbm>> -> memref<32x2048xf32, #tpu.memory_space<hbm>>
      %dma_wait3A_343 = arith.constant 0 : i32
      %dma_wait3A_344 = arith.constant 0 : i32
      %dma_wait3A_345 = tpu.memref_slice %arg3[%sub3A_64, %dma_wait3A_343, %dma_wait3A_344] : memref<2048x32x2048xf32, #tpu.memory_space<hbm>> -> memref<1x32x2048xf32, #tpu.memory_space<hbm>>
      %dma_wait3A_346 = tpu.memref_squeeze %dma_wait3A_345 : memref<1x32x2048xf32, #tpu.memory_space<hbm>> -> memref<32x2048xf32, #tpu.memory_space<hbm>>
      %dma_wait3A_347 = arith.constant 0 : i32
      %dma_wait3A_348 = arith.constant 384 : i32
      %dma_wait3A_349 = tpu.memref_slice %arg4[%dma_wait3A_347, %dma_wait3A_348] : memref<32x3968xf32, #tpu.memory_space<vmem>> -> memref<32x2048xf32, #tpu.memory_space<vmem>>
      tpu.wait_dma2 semaphore(%arg5 : memref<!tpu.dma_semaphore, #tpu.memory_space<semaphore_mem>>) src(%dma_wait3A_349 : memref<32x2048xf32, #tpu.memory_space<vmem>>) dst(%dma_wait3A_346 : memref<32x2048xf32, #tpu.memory_space<hbm>>)
      %dma_wait3A_350 = arith.constant 0 : i32
      %dma_wait3A_351 = arith.constant 512 : i32
      %dma_wait3A_352 = tpu.memref_slice %arg4[%dma_wait3A_350, %dma_wait3A_351] : memref<32x3968xf32, #tpu.memory_space<vmem>> -> memref<32x2048xf32, #tpu.memory_space<vmem>>
      %dma_wait3A_353 = arith.constant 0 : i32
      %dma_wait3A_354 = arith.constant 0 : i32
      %dma_wait3A_355 = tpu.memref_slice %arg3[%sub3A_82, %dma_wait3A_353, %dma_wait3A_354] : memref<2048x32x2048xf32, #tpu.memory_space<hbm>> -> memref<1x32x2048xf32, #tpu.memory_space<hbm>>
      %dma_wait3A_356 = tpu.memref_squeeze %dma_wait3A_355 : memref<1x32x2048xf32, #tpu.memory_space<hbm>> -> memref<32x2048xf32, #tpu.memory_space<hbm>>
      %dma_wait3A_357 = arith.constant 0 : i32
      %dma_wait3A_358 = arith.constant 0 : i32
      %dma_wait3A_359 = tpu.memref_slice %arg3[%sub3A_82, %dma_wait3A_357, %dma_wait3A_358] : memref<2048x32x2048xf32, #tpu.memory_space<hbm>> -> memref<1x32x2048xf32, #tpu.memory_space<hbm>>
      %dma_wait3A_360 = tpu.memref_squeeze %dma_wait3A_359 : memref<1x32x2048xf32, #tpu.memory_space<hbm>> -> memref<32x2048xf32, #tpu.memory_space<hbm>>
      %dma_wait3A_361 = arith.constant 0 : i32
      %dma_wait3A_362 = arith.constant 512 : i32
      %dma_wait3A_363 = tpu.memref_slice %arg4[%dma_wait3A_361, %dma_wait3A_362] : memref<32x3968xf32, #tpu.memory_space<vmem>> -> memref<32x2048xf32, #tpu.memory_space<vmem>>
      tpu.wait_dma2 semaphore(%arg5 : memref<!tpu.dma_semaphore, #tpu.memory_space<semaphore_mem>>) src(%dma_wait3A_363 : memref<32x2048xf32, #tpu.memory_space<vmem>>) dst(%dma_wait3A_360 : memref<32x2048xf32, #tpu.memory_space<hbm>>)
      %dma_wait3A_364 = arith.constant 0 : i32
      %dma_wait3A_365 = arith.constant 640 : i32
      %dma_wait3A_366 = tpu.memref_slice %arg4[%dma_wait3A_364, %dma_wait3A_365] : memref<32x3968xf32, #tpu.memory_space<vmem>> -> memref<32x2048xf32, #tpu.memory_space<vmem>>
      %dma_wait3A_367 = arith.constant 0 : i32
      %dma_wait3A_368 = arith.constant 0 : i32
      %dma_wait3A_369 = tpu.memref_slice %arg3[%sub3A_100, %dma_wait3A_367, %dma_wait3A_368] : memref<2048x32x2048xf32, #tpu.memory_space<hbm>> -> memref<1x32x2048xf32, #tpu.memory_space<hbm>>
      %dma_wait3A_370 = tpu.memref_squeeze %dma_wait3A_369 : memref<1x32x2048xf32, #tpu.memory_space<hbm>> -> memref<32x2048xf32, #tpu.memory_space<hbm>>
      %dma_wait3A_371 = arith.constant 0 : i32
      %dma_wait3A_372 = arith.constant 0 : i32
      %dma_wait3A_373 = tpu.memref_slice %arg3[%sub3A_100, %dma_wait3A_371, %dma_wait3A_372] : memref<2048x32x2048xf32, #tpu.memory_space<hbm>> -> memref<1x32x2048xf32, #tpu.memory_space<hbm>>
      %dma_wait3A_374 = tpu.memref_squeeze %dma_wait3A_373 : memref<1x32x2048xf32, #tpu.memory_space<hbm>> -> memref<32x2048xf32, #tpu.memory_space<hbm>>
      %dma_wait3A_375 = arith.constant 0 : i32
      %dma_wait3A_376 = arith.constant 640 : i32
      %dma_wait3A_377 = tpu.memref_slice %arg4[%dma_wait3A_375, %dma_wait3A_376] : memref<32x3968xf32, #tpu.memory_space<vmem>> -> memref<32x2048xf32, #tpu.memory_space<vmem>>
      tpu.wait_dma2 semaphore(%arg5 : memref<!tpu.dma_semaphore, #tpu.memory_space<semaphore_mem>>) src(%dma_wait3A_377 : memref<32x2048xf32, #tpu.memory_space<vmem>>) dst(%dma_wait3A_374 : memref<32x2048xf32, #tpu.memory_space<hbm>>)
      %dma_wait3A_378 = arith.constant 0 : i32
      %dma_wait3A_379 = arith.constant 768 : i32
      %dma_wait3A_380 = tpu.memref_slice %arg4[%dma_wait3A_378, %dma_wait3A_379] : memref<32x3968xf32, #tpu.memory_space<vmem>> -> memref<32x2048xf32, #tpu.memory_space<vmem>>
      %dma_wait3A_381 = arith.constant 0 : i32
      %dma_wait3A_382 = arith.constant 0 : i32
      %dma_wait3A_383 = tpu.memref_slice %arg3[%sub3A_118, %dma_wait3A_381, %dma_wait3A_382] : memref<2048x32x2048xf32, #tpu.memory_space<hbm>> -> memref<1x32x2048xf32, #tpu.memory_space<hbm>>
      %dma_wait3A_384 = tpu.memref_squeeze %dma_wait3A_383 : memref<1x32x2048xf32, #tpu.memory_space<hbm>> -> memref<32x2048xf32, #tpu.memory_space<hbm>>
      %dma_wait3A_385 = arith.constant 0 : i32
      %dma_wait3A_386 = arith.constant 0 : i32
      %dma_wait3A_387 = tpu.memref_slice %arg3[%sub3A_118, %dma_wait3A_385, %dma_wait3A_386] : memref<2048x32x2048xf32, #tpu.memory_space<hbm>> -> memref<1x32x2048xf32, #tpu.memory_space<hbm>>
      %dma_wait3A_388 = tpu.memref_squeeze %dma_wait3A_387 : memref<1x32x2048xf32, #tpu.memory_space<hbm>> -> memref<32x2048xf32, #tpu.memory_space<hbm>>
      %dma_wait3A_389 = arith.constant 0 : i32
      %dma_wait3A_390 = arith.constant 768 : i32
      %dma_wait3A_391 = tpu.memref_slice %arg4[%dma_wait3A_389, %dma_wait3A_390] : memref<32x3968xf32, #tpu.memory_space<vmem>> -> memref<32x2048xf32, #tpu.memory_space<vmem>>
      tpu.wait_dma2 semaphore(%arg5 : memref<!tpu.dma_semaphore, #tpu.memory_space<semaphore_mem>>) src(%dma_wait3A_391 : memref<32x2048xf32, #tpu.memory_space<vmem>>) dst(%dma_wait3A_388 : memref<32x2048xf32, #tpu.memory_space<hbm>>)
      %dma_wait3A_392 = arith.constant 0 : i32
      %dma_wait3A_393 = arith.constant 896 : i32
      %dma_wait3A_394 = tpu.memref_slice %arg4[%dma_wait3A_392, %dma_wait3A_393] : memref<32x3968xf32, #tpu.memory_space<vmem>> -> memref<32x2048xf32, #tpu.memory_space<vmem>>
      %dma_wait3A_395 = arith.constant 0 : i32
      %dma_wait3A_396 = arith.constant 0 : i32
      %dma_wait3A_397 = tpu.memref_slice %arg3[%sub3A_136, %dma_wait3A_395, %dma_wait3A_396] : memref<2048x32x2048xf32, #tpu.memory_space<hbm>> -> memref<1x32x2048xf32, #tpu.memory_space<hbm>>
      %dma_wait3A_398 = tpu.memref_squeeze %dma_wait3A_397 : memref<1x32x2048xf32, #tpu.memory_space<hbm>> -> memref<32x2048xf32, #tpu.memory_space<hbm>>
      %dma_wait3A_399 = arith.constant 0 : i32
      %dma_wait3A_400 = arith.constant 0 : i32
      %dma_wait3A_401 = tpu.memref_slice %arg3[%sub3A_136, %dma_wait3A_399, %dma_wait3A_400] : memref<2048x32x2048xf32, #tpu.memory_space<hbm>> -> memref<1x32x2048xf32, #tpu.memory_space<hbm>>
      %dma_wait3A_402 = tpu.memref_squeeze %dma_wait3A_401 : memref<1x32x2048xf32, #tpu.memory_space<hbm>> -> memref<32x2048xf32, #tpu.memory_space<hbm>>
      %dma_wait3A_403 = arith.constant 0 : i32
      %dma_wait3A_404 = arith.constant 896 : i32
      %dma_wait3A_405 = tpu.memref_slice %arg4[%dma_wait3A_403, %dma_wait3A_404] : memref<32x3968xf32, #tpu.memory_space<vmem>> -> memref<32x2048xf32, #tpu.memory_space<vmem>>
      tpu.wait_dma2 semaphore(%arg5 : memref<!tpu.dma_semaphore, #tpu.memory_space<semaphore_mem>>) src(%dma_wait3A_405 : memref<32x2048xf32, #tpu.memory_space<vmem>>) dst(%dma_wait3A_402 : memref<32x2048xf32, #tpu.memory_space<hbm>>)
      %dma_wait3A_406 = arith.constant 0 : i32
      %dma_wait3A_407 = arith.constant 1024 : i32
      %dma_wait3A_408 = tpu.memref_slice %arg4[%dma_wait3A_406, %dma_wait3A_407] : memref<32x3968xf32, #tpu.memory_space<vmem>> -> memref<32x2048xf32, #tpu.memory_space<vmem>>
      %dma_wait3A_409 = arith.constant 0 : i32
      %dma_wait3A_410 = arith.constant 0 : i32
      %dma_wait3A_411 = tpu.memref_slice %arg3[%sub3A_154, %dma_wait3A_409, %dma_wait3A_410] : memref<2048x32x2048xf32, #tpu.memory_space<hbm>> -> memref<1x32x2048xf32, #tpu.memory_space<hbm>>
      %dma_wait3A_412 = tpu.memref_squeeze %dma_wait3A_411 : memref<1x32x2048xf32, #tpu.memory_space<hbm>> -> memref<32x2048xf32, #tpu.memory_space<hbm>>
      %dma_wait3A_413 = arith.constant 0 : i32
      %dma_wait3A_414 = arith.constant 0 : i32
      %dma_wait3A_415 = tpu.memref_slice %arg3[%sub3A_154, %dma_wait3A_413, %dma_wait3A_414] : memref<2048x32x2048xf32, #tpu.memory_space<hbm>> -> memref<1x32x2048xf32, #tpu.memory_space<hbm>>
      %dma_wait3A_416 = tpu.memref_squeeze %dma_wait3A_415 : memref<1x32x2048xf32, #tpu.memory_space<hbm>> -> memref<32x2048xf32, #tpu.memory_space<hbm>>
      %dma_wait3A_417 = arith.constant 0 : i32
      %dma_wait3A_418 = arith.constant 1024 : i32
      %dma_wait3A_419 = tpu.memref_slice %arg4[%dma_wait3A_417, %dma_wait3A_418] : memref<32x3968xf32, #tpu.memory_space<vmem>> -> memref<32x2048xf32, #tpu.memory_space<vmem>>
      tpu.wait_dma2 semaphore(%arg5 : memref<!tpu.dma_semaphore, #tpu.memory_space<semaphore_mem>>) src(%dma_wait3A_419 : memref<32x2048xf32, #tpu.memory_space<vmem>>) dst(%dma_wait3A_416 : memref<32x2048xf32, #tpu.memory_space<hbm>>)
      %dma_wait3A_420 = arith.constant 0 : i32
      %dma_wait3A_421 = arith.constant 1152 : i32
      %dma_wait3A_422 = tpu.memref_slice %arg4[%dma_wait3A_420, %dma_wait3A_421] : memref<32x3968xf32, #tpu.memory_space<vmem>> -> memref<32x2048xf32, #tpu.memory_space<vmem>>
      %dma_wait3A_423 = arith.constant 0 : i32
      %dma_wait3A_424 = arith.constant 0 : i32
      %dma_wait3A_425 = tpu.memref_slice %arg3[%sub3A_172, %dma_wait3A_423, %dma_wait3A_424] : memref<2048x32x2048xf32, #tpu.memory_space<hbm>> -> memref<1x32x2048xf32, #tpu.memory_space<hbm>>
      %dma_wait3A_426 = tpu.memref_squeeze %dma_wait3A_425 : memref<1x32x2048xf32, #tpu.memory_space<hbm>> -> memref<32x2048xf32, #tpu.memory_space<hbm>>
      %dma_wait3A_427 = arith.constant 0 : i32
      %dma_wait3A_428 = arith.constant 0 : i32
      %dma_wait3A_429 = tpu.memref_slice %arg3[%sub3A_172, %dma_wait3A_427, %dma_wait3A_428] : memref<2048x32x2048xf32, #tpu.memory_space<hbm>> -> memref<1x32x2048xf32, #tpu.memory_space<hbm>>
      %dma_wait3A_430 = tpu.memref_squeeze %dma_wait3A_429 : memref<1x32x2048xf32, #tpu.memory_space<hbm>> -> memref<32x2048xf32, #tpu.memory_space<hbm>>
      %dma_wait3A_431 = arith.constant 0 : i32
      %dma_wait3A_432 = arith.constant 1152 : i32
      %dma_wait3A_433 = tpu.memref_slice %arg4[%dma_wait3A_431, %dma_wait3A_432] : memref<32x3968xf32, #tpu.memory_space<vmem>> -> memref<32x2048xf32, #tpu.memory_space<vmem>>
      tpu.wait_dma2 semaphore(%arg5 : memref<!tpu.dma_semaphore, #tpu.memory_space<semaphore_mem>>) src(%dma_wait3A_433 : memref<32x2048xf32, #tpu.memory_space<vmem>>) dst(%dma_wait3A_430 : memref<32x2048xf32, #tpu.memory_space<hbm>>)
      %dma_wait3A_434 = arith.constant 0 : i32
      %dma_wait3A_435 = arith.constant 1280 : i32
      %dma_wait3A_436 = tpu.memref_slice %arg4[%dma_wait3A_434, %dma_wait3A_435] : memref<32x3968xf32, #tpu.memory_space<vmem>> -> memref<32x2048xf32, #tpu.memory_space<vmem>>
      %dma_wait3A_437 = arith.constant 0 : i32
      %dma_wait3A_438 = arith.constant 0 : i32
      %dma_wait3A_439 = tpu.memref_slice %arg3[%sub3A_190, %dma_wait3A_437, %dma_wait3A_438] : memref<2048x32x2048xf32, #tpu.memory_space<hbm>> -> memref<1x32x2048xf32, #tpu.memory_space<hbm>>
      %dma_wait3A_440 = tpu.memref_squeeze %dma_wait3A_439 : memref<1x32x2048xf32, #tpu.memory_space<hbm>> -> memref<32x2048xf32, #tpu.memory_space<hbm>>
      %dma_wait3A_441 = arith.constant 0 : i32
      %dma_wait3A_442 = arith.constant 0 : i32
      %dma_wait3A_443 = tpu.memref_slice %arg3[%sub3A_190, %dma_wait3A_441, %dma_wait3A_442] : memref<2048x32x2048xf32, #tpu.memory_space<hbm>> -> memref<1x32x2048xf32, #tpu.memory_space<hbm>>
      %dma_wait3A_444 = tpu.memref_squeeze %dma_wait3A_443 : memref<1x32x2048xf32, #tpu.memory_space<hbm>> -> memref<32x2048xf32, #tpu.memory_space<hbm>>
      %dma_wait3A_445 = arith.constant 0 : i32
      %dma_wait3A_446 = arith.constant 1280 : i32
      %dma_wait3A_447 = tpu.memref_slice %arg4[%dma_wait3A_445, %dma_wait3A_446] : memref<32x3968xf32, #tpu.memory_space<vmem>> -> memref<32x2048xf32, #tpu.memory_space<vmem>>
      tpu.wait_dma2 semaphore(%arg5 : memref<!tpu.dma_semaphore, #tpu.memory_space<semaphore_mem>>) src(%dma_wait3A_447 : memref<32x2048xf32, #tpu.memory_space<vmem>>) dst(%dma_wait3A_444 : memref<32x2048xf32, #tpu.memory_space<hbm>>)
      %dma_wait3A_448 = arith.constant 0 : i32
      %dma_wait3A_449 = arith.constant 1408 : i32
      %dma_wait3A_450 = tpu.memref_slice %arg4[%dma_wait3A_448, %dma_wait3A_449] : memref<32x3968xf32, #tpu.memory_space<vmem>> -> memref<32x2048xf32, #tpu.memory_space<vmem>>
      %dma_wait3A_451 = arith.constant 0 : i32
      %dma_wait3A_452 = arith.constant 0 : i32
      %dma_wait3A_453 = tpu.memref_slice %arg3[%sub3A_208, %dma_wait3A_451, %dma_wait3A_452] : memref<2048x32x2048xf32, #tpu.memory_space<hbm>> -> memref<1x32x2048xf32, #tpu.memory_space<hbm>>
      %dma_wait3A_454 = tpu.memref_squeeze %dma_wait3A_453 : memref<1x32x2048xf32, #tpu.memory_space<hbm>> -> memref<32x2048xf32, #tpu.memory_space<hbm>>
      %dma_wait3A_455 = arith.constant 0 : i32
      %dma_wait3A_456 = arith.constant 0 : i32
      %dma_wait3A_457 = tpu.memref_slice %arg3[%sub3A_208, %dma_wait3A_455, %dma_wait3A_456] : memref<2048x32x2048xf32, #tpu.memory_space<hbm>> -> memref<1x32x2048xf32, #tpu.memory_space<hbm>>
      %dma_wait3A_458 = tpu.memref_squeeze %dma_wait3A_457 : memref<1x32x2048xf32, #tpu.memory_space<hbm>> -> memref<32x2048xf32, #tpu.memory_space<hbm>>
      %dma_wait3A_459 = arith.constant 0 : i32
      %dma_wait3A_460 = arith.constant 1408 : i32
      %dma_wait3A_461 = tpu.memref_slice %arg4[%dma_wait3A_459, %dma_wait3A_460] : memref<32x3968xf32, #tpu.memory_space<vmem>> -> memref<32x2048xf32, #tpu.memory_space<vmem>>
      tpu.wait_dma2 semaphore(%arg5 : memref<!tpu.dma_semaphore, #tpu.memory_space<semaphore_mem>>) src(%dma_wait3A_461 : memref<32x2048xf32, #tpu.memory_space<vmem>>) dst(%dma_wait3A_458 : memref<32x2048xf32, #tpu.memory_space<hbm>>)
      %dma_wait3A_462 = arith.constant 0 : i32
      %dma_wait3A_463 = arith.constant 1536 : i32
      %dma_wait3A_464 = tpu.memref_slice %arg4[%dma_wait3A_462, %dma_wait3A_463] : memref<32x3968xf32, #tpu.memory_space<vmem>> -> memref<32x2048xf32, #tpu.memory_space<vmem>>
      %dma_wait3A_465 = arith.constant 0 : i32
      %dma_wait3A_466 = arith.constant 0 : i32
      %dma_wait3A_467 = tpu.memref_slice %arg3[%sub3A_226, %dma_wait3A_465, %dma_wait3A_466] : memref<2048x32x2048xf32, #tpu.memory_space<hbm>> -> memref<1x32x2048xf32, #tpu.memory_space<hbm>>
      %dma_wait3A_468 = tpu.memref_squeeze %dma_wait3A_467 : memref<1x32x2048xf32, #tpu.memory_space<hbm>> -> memref<32x2048xf32, #tpu.memory_space<hbm>>
      %dma_wait3A_469 = arith.constant 0 : i32
      %dma_wait3A_470 = arith.constant 0 : i32
      %dma_wait3A_471 = tpu.memref_slice %arg3[%sub3A_226, %dma_wait3A_469, %dma_wait3A_470] : memref<2048x32x2048xf32, #tpu.memory_space<hbm>> -> memref<1x32x2048xf32, #tpu.memory_space<hbm>>
      %dma_wait3A_472 = tpu.memref_squeeze %dma_wait3A_471 : memref<1x32x2048xf32, #tpu.memory_space<hbm>> -> memref<32x2048xf32, #tpu.memory_space<hbm>>
      %dma_wait3A_473 = arith.constant 0 : i32
      %dma_wait3A_474 = arith.constant 1536 : i32
      %dma_wait3A_475 = tpu.memref_slice %arg4[%dma_wait3A_473, %dma_wait3A_474] : memref<32x3968xf32, #tpu.memory_space<vmem>> -> memref<32x2048xf32, #tpu.memory_space<vmem>>
      tpu.wait_dma2 semaphore(%arg5 : memref<!tpu.dma_semaphore, #tpu.memory_space<semaphore_mem>>) src(%dma_wait3A_475 : memref<32x2048xf32, #tpu.memory_space<vmem>>) dst(%dma_wait3A_472 : memref<32x2048xf32, #tpu.memory_space<hbm>>)
      %dma_wait3A_476 = arith.constant 0 : i32
      %dma_wait3A_477 = arith.constant 1664 : i32
      %dma_wait3A_478 = tpu.memref_slice %arg4[%dma_wait3A_476, %dma_wait3A_477] : memref<32x3968xf32, #tpu.memory_space<vmem>> -> memref<32x2048xf32, #tpu.memory_space<vmem>>
      %dma_wait3A_479 = arith.constant 0 : i32
      %dma_wait3A_480 = arith.constant 0 : i32
      %dma_wait3A_481 = tpu.memref_slice %arg3[%sub3A_244, %dma_wait3A_479, %dma_wait3A_480] : memref<2048x32x2048xf32, #tpu.memory_space<hbm>> -> memref<1x32x2048xf32, #tpu.memory_space<hbm>>
      %dma_wait3A_482 = tpu.memref_squeeze %dma_wait3A_481 : memref<1x32x2048xf32, #tpu.memory_space<hbm>> -> memref<32x2048xf32, #tpu.memory_space<hbm>>
      %dma_wait3A_483 = arith.constant 0 : i32
      %dma_wait3A_484 = arith.constant 0 : i32
      %dma_wait3A_485 = tpu.memref_slice %arg3[%sub3A_244, %dma_wait3A_483, %dma_wait3A_484] : memref<2048x32x2048xf32, #tpu.memory_space<hbm>> -> memref<1x32x2048xf32, #tpu.memory_space<hbm>>
      %dma_wait3A_486 = tpu.memref_squeeze %dma_wait3A_485 : memref<1x32x2048xf32, #tpu.memory_space<hbm>> -> memref<32x2048xf32, #tpu.memory_space<hbm>>
      %dma_wait3A_487 = arith.constant 0 : i32
      %dma_wait3A_488 = arith.constant 1664 : i32
      %dma_wait3A_489 = tpu.memref_slice %arg4[%dma_wait3A_487, %dma_wait3A_488] : memref<32x3968xf32, #tpu.memory_space<vmem>> -> memref<32x2048xf32, #tpu.memory_space<vmem>>
      tpu.wait_dma2 semaphore(%arg5 : memref<!tpu.dma_semaphore, #tpu.memory_space<semaphore_mem>>) src(%dma_wait3A_489 : memref<32x2048xf32, #tpu.memory_space<vmem>>) dst(%dma_wait3A_486 : memref<32x2048xf32, #tpu.memory_space<hbm>>)
      %dma_wait3A_490 = arith.constant 0 : i32
      %dma_wait3A_491 = arith.constant 1792 : i32
      %dma_wait3A_492 = tpu.memref_slice %arg4[%dma_wait3A_490, %dma_wait3A_491] : memref<32x3968xf32, #tpu.memory_space<vmem>> -> memref<32x2048xf32, #tpu.memory_space<vmem>>
      %dma_wait3A_493 = arith.constant 0 : i32
      %dma_wait3A_494 = arith.constant 0 : i32
      %dma_wait3A_495 = tpu.memref_slice %arg3[%sub3A_262, %dma_wait3A_493, %dma_wait3A_494] : memref<2048x32x2048xf32, #tpu.memory_space<hbm>> -> memref<1x32x2048xf32, #tpu.memory_space<hbm>>
      %dma_wait3A_496 = tpu.memref_squeeze %dma_wait3A_495 : memref<1x32x2048xf32, #tpu.memory_space<hbm>> -> memref<32x2048xf32, #tpu.memory_space<hbm>>
      %dma_wait3A_497 = arith.constant 0 : i32
      %dma_wait3A_498 = arith.constant 0 : i32
      %dma_wait3A_499 = tpu.memref_slice %arg3[%sub3A_262, %dma_wait3A_497, %dma_wait3A_498] : memref<2048x32x2048xf32, #tpu.memory_space<hbm>> -> memref<1x32x2048xf32, #tpu.memory_space<hbm>>
      %dma_wait3A_500 = tpu.memref_squeeze %dma_wait3A_499 : memref<1x32x2048xf32, #tpu.memory_space<hbm>> -> memref<32x2048xf32, #tpu.memory_space<hbm>>
      %dma_wait3A_501 = arith.constant 0 : i32
      %dma_wait3A_502 = arith.constant 1792 : i32
      %dma_wait3A_503 = tpu.memref_slice %arg4[%dma_wait3A_501, %dma_wait3A_502] : memref<32x3968xf32, #tpu.memory_space<vmem>> -> memref<32x2048xf32, #tpu.memory_space<vmem>>
      tpu.wait_dma2 semaphore(%arg5 : memref<!tpu.dma_semaphore, #tpu.memory_space<semaphore_mem>>) src(%dma_wait3A_503 : memref<32x2048xf32, #tpu.memory_space<vmem>>) dst(%dma_wait3A_500 : memref<32x2048xf32, #tpu.memory_space<hbm>>)
      %dma_wait3A_504 = arith.constant 0 : i32
      %dma_wait3A_505 = arith.constant 1920 : i32
      %dma_wait3A_506 = tpu.memref_slice %arg4[%dma_wait3A_504, %dma_wait3A_505] : memref<32x3968xf32, #tpu.memory_space<vmem>> -> memref<32x2048xf32, #tpu.memory_space<vmem>>
      %dma_wait3A_507 = arith.constant 0 : i32
      %dma_wait3A_508 = arith.constant 0 : i32
      %dma_wait3A_509 = tpu.memref_slice %arg3[%sub3A_280, %dma_wait3A_507, %dma_wait3A_508] : memref<2048x32x2048xf32, #tpu.memory_space<hbm>> -> memref<1x32x2048xf32, #tpu.memory_space<hbm>>
      %dma_wait3A_510 = tpu.memref_squeeze %dma_wait3A_509 : memref<1x32x2048xf32, #tpu.memory_space<hbm>> -> memref<32x2048xf32, #tpu.memory_space<hbm>>
      %dma_wait3A_511 = arith.constant 0 : i32
      %dma_wait3A_512 = arith.constant 0 : i32
      %dma_wait3A_513 = tpu.memref_slice %arg3[%sub3A_280, %dma_wait3A_511, %dma_wait3A_512] : memref<2048x32x2048xf32, #tpu.memory_space<hbm>> -> memref<1x32x2048xf32, #tpu.memory_space<hbm>>
      %dma_wait3A_514 = tpu.memref_squeeze %dma_wait3A_513 : memref<1x32x2048xf32, #tpu.memory_space<hbm>> -> memref<32x2048xf32, #tpu.memory_space<hbm>>
      %dma_wait3A_515 = arith.constant 0 : i32
      %dma_wait3A_516 = arith.constant 1920 : i32
      %dma_wait3A_517 = tpu.memref_slice %arg4[%dma_wait3A_515, %dma_wait3A_516] : memref<32x3968xf32, #tpu.memory_space<vmem>> -> memref<32x2048xf32, #tpu.memory_space<vmem>>
      tpu.wait_dma2 semaphore(%arg5 : memref<!tpu.dma_semaphore, #tpu.memory_space<semaphore_mem>>) src(%dma_wait3A_517 : memref<32x2048xf32, #tpu.memory_space<vmem>>) dst(%dma_wait3A_514 : memref<32x2048xf32, #tpu.memory_space<hbm>>)
    }
    %scan3A_4 = arith.constant 4 : i32
    return
  }
}

module attributes {stable_mosaic.version = 14 : i64} {
  func.func @_stage_body(%arg0: i32, %arg1: memref<32x257xf32, #tpu.memory_space<vmem>>, %arg2: memref<1x32x3968xf32, #tpu.memory_space<vmem>>) attributes {dimension_semantics = [#tpu.dimension_semantics<arbitrary>], iteration_bounds = array<i64: 128>, scalar_prefetch = 0 : i64, scratch_operands = 0 : i64, tpu.core_type = #tpu.core_type<tc>, window_params = [{pipeline_mode = #tpu.pipeline_mode<synchronous>, transform_indices = @transform_0, window_bounds = array<i64: 32, 257>}, {transform_indices = @transform_1, window_bounds = array<i64: 1, 32, 3968>}]} {
    %iota3A = tpu.iota {dimensions = array<i32: 1>} : vector<257x3968xi32>
    %sub3A = arith.constant 2047 : i32
    %sub3A_0 = arith.subi %arg0, %sub3A : i32
    %add3A = vector.broadcast %sub3A_0 : i32 to vector<257x3968xi32>
    %add3A_1 = arith.addi %iota3A, %add3A : vector<257x3968xi32>
    %jit3A = arith.constant -128 : i32
    %jit3A_2 = arith.constant 128 : i32
    %max3A = vector.broadcast %jit3A : i32 to vector<257x3968xi32>
    %max3A_3 = arith.maxsi %max3A, %add3A_1 : vector<257x3968xi32>
    %min3A = vector.broadcast %jit3A_2 : i32 to vector<257x3968xi32>
    %min3A_4 = arith.minsi %min3A, %max3A_3 : vector<257x3968xi32>
    %add3A_5 = arith.constant 128 : i32
    %add3A_6 = vector.broadcast %add3A_5 : i32 to vector<257x3968xi32>
    %add3A_7 = arith.addi %min3A_4, %add3A_6 : vector<257x3968xi32>
    %iota3A_8 = tpu.iota {dimensions = array<i32: 0>} : vector<257x3968xi32>
    %eq3A = arith.cmpi eq, %add3A_7, %iota3A_8 : vector<257x3968xi32>
    %convert_element_type3A = arith.extui %eq3A : vector<257x3968xi1> to vector<257x3968xi32>
    %convert_element_type3A_9 = arith.sitofp %convert_element_type3A : vector<257x3968xi32> to vector<257x3968xf32>
    %get3A = arith.constant 0 : index
    %get3A_10 = arith.constant 0 : index
    %get3A_11 = vector.load %arg1[%get3A, %get3A_10] : memref<32x257xf32, #tpu.memory_space<vmem>>, vector<32x257xf32>
    %dot_general3A = arith.constant dense<0.000000e+00> : vector<32x3968xf32>
    %dot_general3A_12 = tpu.matmul %get3A_11, %convert_element_type3A_9, %dot_general3A {dimension_numbers = #tpu.dot_dimension_numbers<[1], [0], [0], [1], [0, 0, 1, 1], [], []>, transpose_lhs_hint = false} : vector<32x257xf32>, vector<257x3968xf32>, vector<32x3968xf32> -> vector<32x3968xf32>
    %swap3A = arith.constant 0 : index
    %swap3A_13 = arith.constant 0 : index
    %swap3A_14 = arith.constant 0 : index
    %swap3A_15 = vector.load %arg2[%swap3A, %swap3A_13, %swap3A_14] : memref<1x32x3968xf32, #tpu.memory_space<vmem>>, vector<1x32x3968xf32>
    %swap3A_16 = vector.shape_cast %swap3A_15 : vector<1x32x3968xf32> to vector<32x3968xf32>
    %swap3A_17 = vector.shape_cast %dot_general3A_12 : vector<32x3968xf32> to vector<1x32x3968xf32>
    tpu.vector_store %arg2[%swap3A, %swap3A_13, %swap3A_14], %swap3A_17 {strides = array<i32>} : memref<1x32x3968xf32, #tpu.memory_space<vmem>>, vector<1x32x3968xf32>,
    return
  }
  func.func @transform_0(%arg0: i32) -> (i32, i32) {
    %c0_i32 = arith.constant 0 : i32
    %c0_i32_0 = arith.constant 0 : i32
    %c0_i32_1 = arith.constant 0 : i32
    return %c0_i32, %c0_i32_0 : i32, i32
  }
  func.func @transform_1(%arg0: i32) -> (i32, i32, i32) {
    %c0_i32 = arith.constant 0 : i32
    %c0_i32_0 = arith.constant 0 : i32
    %c0_i32_1 = arith.constant 0 : i32
    return %arg0, %c0_i32, %c0_i32_0 : i32, i32, i32
  }
}

</mosaic_0001>

<sc_bundles>
// kernel: _rpe.4.cloned.1.call-start
scs
__scs_entry_jumppad:
0x0: {  	(pc) =	sbr.rel $0x88, $3  }
0x1: {  	(tag) =	ssettag $0x0;
	lr =	simm.s32 $0x1  }
0x2: {  	[smem:$0x3FA0] =	sst lr;
	_ =	strace $0xD0000000  }
0x3: {  	_ = 	snop  }
0x4: {  	_ = 	snop  }
0x5: {  	_ = 	snop  }
0x6: {  	_ = 	snop  }
0x7: {  	_ = 	snop  }
__scs_overlays_trampoline_lowered:
0x8: {  	[smem:$0x3FAF] =	sst s0  }
0x9: {  	[smem:$0x3FB0] =	sst s1  }
0xa: {  	[smem:$0x3FB1] =	sst s2  }
0xb: {  	[smem:$0x3FB2] =	sst s3  }
0xc: {  	[smem:$0x3FB3] =	sst s4  }
0xd: {  	[smem:$0x3FB4] =	sst s5  }
0xe: {  	[smem:$0x3FB5] =	sst s6  }
0xf: {  	[smem:$0x3FB6] =	sst s7  }
0x10: {  	[smem:$0x3FB7] =	sst s8  }
0x11: {  	[smem:$0x3FB8] =	sst s9;
	s0 =	simm.s32 @!p0 $0x0  }
0x12: {  	s1 =	sld [smem:$0x3F9E];
	s0 =	simm.s32 @p0 $0x1  }
0x13: {  	[smem:$0x3FB9] =	sst s0;
	s0 =	simm.s32 @!p1 $0x0  }
0x14: {  	s2 =	sld [smem:$0x3F9D];
	s0 =	simm.s32 @p1 $0x1  }
0x15: {  	[smem:$0x3FBA] =	sst s0;
	s0 =	simm.s32 @!p2 $0x0  }
0x16: {  	s3 =	sld [smem:$0x3FDB];
	s0 =	simm.s32 @p2 $0x1  }
0x17: {  	s4 =	simm.s32 $0x1BF5;
	[smem:$0x3FBC] =	sst s0  }
0x18: {  	s0 =	sld [smem:$0x3F9F];
	_ =	swait.ge [sflag:s4], $0x0  }
0x19: {  	s7 =	sld [smem:$0x3FA0]  }
0x1a: {  	s8 =	sadd.s32 $0xFFFFE003, lr  }
0x1b: {  	s9 =	sadd.s32 $0xFFFFFEF7, lr;
	s5 =	simm.s32 $0xFFFFFFFF;
	p2 =	slt.u32 s8, $0xFFFFF086  }
0x1c: {  	p1 =	slt.u32 s9, $0xF7A;
	s5 =	simm.s32 @!p2 $0x0  }
0x1d: {  	s5 =	simm.s32 @p1 $0x1;
	p0 =	seq.s32 s7, s2  }
0x1e: {  	s7 =	smul.u32 @!p0 $0xF7A, s2;
	p2 =	seq.s32 @!p0 s5, $0x0  }
0x1f: {  	s9 =	smul.u32 $0xF7A, s1;
	s8 =	simm.s32 @!p0 $0x1BF5;
	p2 =	por !p2, p0  }
0x20: {  	[sflag:s8] =	ssyncset.s32 @!p0 $0xFFFFF086;
	s6 =	sadd.s32 @!p0 s3, s7;
	s7 =	simm.s32 @!p0 $0x108  }
0x21: {  	s3 =	sadd.s32 s3, s9;
	s6 =	sadd.s32 @!p0 $0x88, s6;
	s7 =	simm.s32 @p2 $0x1082  }
0x22: {  	[simem:s7], [sflag:s8] =	dma.local @!p0 [hbm:s6], $0xF7A  }
0x23: {  	s9 =	sor.u32 $0xD0000000, s2;
	s6 =	simm.s32 $0x108;
	_ =	swait.ge @!p0 [sflag:s8], $0x0  }
0x24: {  	s3 =	sadd.s32 $0x88, s3;
	s6 =	simm.s32 @!p1 $0x1082;
	[sflag:s4] =	ssyncset.s32 $0xFFFFF086  }
0x25: {  	[simem:s6], [sflag:s4] =	dma.local [hbm:s3], $0xF7A  }
0x26: {  	[smem:$0x3FA0] =	sst s1;
	(tag) =	ssettag s2;
	_ =	strace s9  }
0x27: {  	s1 =	sld [smem:$0x3FB0]  }
0x28: {  	s2 =	sld [smem:$0x3FB1]  }
0x29: {  	s4 =	sld [smem:$0x3FB3]  }
0x2a: {  	p0 =	seq.s32 s5, $0x0;
	s5 =	sld [smem:$0x3FB4]  }
0x2b: {  	s6 =	sld [smem:$0x3FB5]  }
0x2c: {  	s7 =	sld [smem:$0x3FB6]  }
0x2d: {  	s3 =	simm.s32 $0x108;
	s8 =	sld [smem:$0x3FB7]  }
0x2e: {  	s3 =	simm.s32 @!p0 $0x1082;
	s9 =	sld [smem:$0x3FB8]  }
0x2f: {  	lr =	sadd.s32 s0, s3;
	s0 =	sld [smem:$0x3FAF]  }
0x30: {  	s3 =	sld [smem:$0x3FB2]  }
0x31: {  	[smem:$0x3FBB] =	sst s10  }
0x32: {  	s10 =	sld [smem:$0x3FB9];
	_ =	sdelay $0x3  }
0x33: {  	p0 =	seq.s32 s10, $0x1;
	s10 =	sld [smem:$0x3FBB];
	_ =	sdelay $0x3  }
0x34: {  	[smem:$0x3FBB] =	sst s10  }
0x35: {  	s10 =	sld [smem:$0x3FBA];
	_ =	sdelay $0x3  }
0x36: {  	p1 =	seq.s32 s10, $0x1;
	s10 =	sld [smem:$0x3FBB];
	_ =	sdelay $0x3  }
0x37: {  	[smem:$0x3FBB] =	sst s10  }
0x38: {  	s10 =	sld [smem:$0x3FBC]  }
0x39: {  	_ = 	snop;
	(pc) =	sbr.ind lr, $3  }
0x3a: {  	_ = 	snop  }
0x3b: {  	_ = 	snop  }
0x3c: {  	p2 =	seq.s32 s10, $0x1;
	s10 =	sld [smem:$0x3FBB]  }
0x3d: {  	_ =	shalt  }
0x3e: {  	_ =	shalt  }
0x3f: {  	_ =	shalt  }
0x40: {  	_ =	shalt  }
0x41: {  	_ =	shalt  }
0x42: {  	_ =	shalt  }
0x43: {  	_ =	shalt  }
0x44: {  	_ =	shalt  }
0x45: {  	_ =	shalt  }
0x46: {  	_ =	shalt  }
0x47: {  	_ =	shalt  }
0x48: {  	_ =	shalt  }
0x49: {  	_ =	shalt  }
0x4a: {  	_ =	shalt  }
0x4b: {  	_ =	shalt  }
0x4c: {  	_ =	shalt  }
0x4d: {  	_ =	shalt  }
0x4e: {  	_ =	shalt  }
0x4f: {  	_ =	shalt  }
0x50: {  	_ =	shalt  }
0x51: {  	_ =	shalt  }
0x52: {  	_ =	shalt  }
0x53: {  	_ =	shalt  }
0x54: {  	_ =	shalt  }
0x55: {  	_ =	shalt  }
0x56: {  	_ =	shalt  }
0x57: {  	_ =	shalt  }
0x58: {  	_ =	shalt  }
0x59: {  	_ =	shalt  }
0x5a: {  	_ =	shalt  }
0x5b: {  	_ =	shalt  }
0x5c: {  	_ =	shalt  }
0x5d: {  	_ =	shalt  }
0x5e: {  	_ =	shalt  }
0x5f: {  	_ =	shalt  }
0x60: {  	_ =	shalt  }
0x61: {  	_ =	shalt  }
0x62: {  	_ =	shalt  }
0x63: {  	_ =	shalt  }
0x64: {  	_ =	shalt  }
0x65: {  	_ =	shalt  }
0x66: {  	_ =	shalt  }
0x67: {  	_ =	shalt  }
0x68: {  	_ =	shalt  }
0x69: {  	_ =	shalt  }
0x6a: {  	_ =	shalt  }
0x6b: {  	_ =	shalt  }
0x6c: {  	_ =	shalt  }
0x6d: {  	_ =	shalt  }
0x6e: {  	_ =	shalt  }
0x6f: {  	_ =	shalt  }
0x70: {  	_ =	shalt  }
0x71: {  	_ =	shalt  }
0x72: {  	_ =	shalt  }
0x73: {  	_ =	shalt  }
0x74: {  	_ =	shalt  }
0x75: {  	_ =	shalt  }
0x76: {  	_ =	shalt  }
0x77: {  	_ =	shalt  }
0x78: {  	_ =	shalt  }
0x79: {  	_ =	shalt  }
0x7a: {  	_ =	shalt  }
0x7b: {  	_ =	shalt  }
0x7c: {  	_ =	shalt  }
0x7d: {  	_ =	shalt  }
0x7e: {  	_ =	shalt  }
0x7f: {  	_ =	shalt  }
0x80: {  	_ =	shalt  }
0x81: {  	_ =	shalt  }
0x82: {  	_ =	shalt  }
0x83: {  	_ =	shalt  }
0x84: {  	_ =	shalt  }
0x85: {  	_ =	shalt  }
0x86: {  	_ =	shalt  }
0x87: {  	_ =	shalt  }
.Lfunc_end0:
.L_simem_size_0:
called_computation_lowered:
.L_overlay_start_0:
0x88: {  	s2 =	sld [smem:$0x3FD9]  }
0x89: {  	s3 =	sld [smem:$0x3FFE];
	_ =	sdelay $0x1  }
0x8a: {  	s1 =	srdreg.scid  }
0x8b: {  	s0 =	sand.u32 $0x1, s1  }
0x8c: {  	s17 =	sshll.u32 s0, $0xA;
	s2 =	sadd.s32 s3, s2  }
0x8d: {  	s2 =	sadd.s32 s2, s17  }
0x8e: {  	[smem:$0x3FC7] =	sst s2  }
0x8f: {  	_ = 	snop  }
0x90: {  	s2 =	sld [smem:$0x3FD0];
	(tm) =	ssettm $0x1  }
0x91: {  	s18 =	sld [smem:$0x3FFB];
	_ =	sdelay $0x3  }
0x92: {  	_ =	strace s18  }
0x93: {  	s3 =	sld [smem:$0x3FFC];
	_ =	sdelay $0x3  }
0x94: {  	_ =	strace s3  }
0x95: {  	s3 =	sld [smem:$0x3FFD];
	_ =	sdelay $0x3  }
0x96: {  	_ =	strace s3  }
0x97: {  	_ =	strace $0x8FFFFFFF  }
0x98: {  	s19 =	sld [smem:$0x3FDB];
	_ =	sdelay $0x1  }
0x99: {  	s4 =	simm.s32 $_scs_section_size  }
0x9a: {  	s5 =	simm.s32 $_size__tile_overlayer_lowered;
	s6 =	simm.s32 $_tile_overlayer_lowered  }
0x9b: {  	s22 =	simm.s32 $0x1BFF;
	s21 =	sshll.u32 s6, $0x1;
	s3 =	sadd.s32 s4, s19  }
0x9c: {  	s7 =	simm.s32 $0x0;
	s20 =	sshll.u32 s5, $0x1;
	s5 =	sadd.s32 s21, s3  }
0x9d: {  	[timem:s7], [sflag:s22] =	dma.local [hbm:s5], s20  }
0x9e: {  	_ =	swait.ge [sflag:s22], s20  }
0x9f: {  	s4 =	ssub.s32 $0x0, s20;
	[sflag:s22] =	ssyncset.done $0x0  }
0xa0: {  	[sflag:s22] =	ssyncadd.s32 s4;
	_ =	sdelay $0x1  }
0xa1: {  	s23 =	simm.s32 $0x1B8B  }
0xa2: {  	_ =	swait.ge [sflag:s23], $0x1  }
0xa3: {  	[sflag:s23] =	ssyncset.done $0x0  }
0xa4: {  	s25 =	simm.s32 $0x1B8E;
	s24 =	sld [smem:$0x3FFE];
	[sflag:s23] =	ssyncadd.s32 $0xFFFFFFFF  }
0xa5: {  	s26 =	simm.s32 $execute0_lowered;
	[smem:$0x3FD2] =	sst s25  }
0xa6: {  	s5 =	sshll.u32 s26, $0x1;
	_ =	strace $0x80000046;
	[dreg:$0x1] =	wrdreg $0xFFFFFFFF  }
0xa7: {  	s28 =	simm.s32 $_size_execute0_lowered;
	s3 =	sadd.s32 s3, s5;
	[dreg:$0x0] =	wrdreg $0x0  }
0xa8: {  	s5 =	sshll.u32 s28, $0x1;
	[dreg:$0x2] =	wrdreg s3  }
0xa9: {  	[dreg:$0x3] =	wrdreg s5  }
0xaa: {  	[dreg:$0x4] =	wrdreg $0xC0  }
0xab: {  	_ =	task [dreg:s7], $0x5FFFF  }
0xac: {  	[dreg:$0x1] =	wrdreg $0xFFFFFFFF  }
0xad: {  	[dreg:$0x0] =	wrdreg $0x60  }
0xae: {  	[dreg:$0x2] =	wrdreg s24  }
0xaf: {  	[dreg:$0x3] =	wrdreg s2  }
0xb0: {  	[dreg:$0x4] =	wrdreg $0x9  }
0xb1: {  	_ =	task.clear_ibuf [dreg:s7], $0x5FFFF;
	_ =	strace $0x90000046  }
0xb2: {  	s29 =	simm.s32 $0x9;
	_ =	strace $0x80000048  }
0xb3: {  	_ =	swait.ge [sflag:s29], $0x1  }
0xb4: {  	[sflag:s29] =	ssyncadd.s32 $0xFFFFFFFF  }
0xb5: {  	_ =	strace $0x90000048  }
0xb6: {  	_ =	sfence  }
0xb7: {  	s30 =	sld [smem:$0x0];
	_ =	sdelay $0x2  }
0xb8: {  	s31 =	sshll.u32 s1, $0xD;
	s1 =	sshrl.u32 s1, $0x2  }
0xb9: {  	s3 =	sand.u32 $0x4000, s31;
	s1 =	sadd.s32 s1, s30  }
0xba: {  	s0 =	sor.u32 s3, s0;
	s1 =	sshll.u32 s1, $0x11  }
0xbb: {  	s0 =	sor.u32 s1, s0  }
0xbc: {  	s0 =	sadd.s32 $0x8F2B, s0  }
0xbd: {  	[sflag:s0] =	ssyncadd.remote.s32 $0x1  }
0xbe: {  	_ =	sfence.sel $0xFFFF  }
0xbf: {  	[dreg:$0x0] =	wrdreg $0xFFFFFFFF;
	(pc) =	sbr.abs _section_cstart, $3  }
0xc0: {  	[dreg:$0x1] =	wrdreg $0xFFFFFFFF  }
0xc1: {  	_ =	task.clear_ibuf [dreg:s7], $0x2FFFF;
	_ =	strace $0x9FFFFFFF  }
0xc2: {  	(tm) =	ssettm $0x7FFFFFFF  }
0xc3: {  	_ =	shalt  }
tec
execute0_lowered:
.L_overlay_start_1:
0x0: {  	(tag) =	ssettag $0x1  }
0x1: {  	s4 =	rddreg [dreg:$0x0]  }
0x2: {  	s2 =	rddreg [dreg:$0x1]  }
0x3: {  	s0 =	rddreg [dreg:$0x2];
	s3 =	simm.s32 $0x0  }
0x4: {  	s14 =	simm.s32 $0x7C00;
	[smem:$0x7FF] =	sst s3  }
0x5: {  	s15 =	simm.s32 $0xF800;
	_ =	strace $0x80000047;
	[dreg:$0x4] =	wrdreg s14  }
0x6: {  	s16 =	simm.s32 $0x17400;
	[dreg:$0x5] =	wrdreg s15  }
0x7: {  	s17 =	simm.s32 $0x400;
	[dreg:$0x6] =	wrdreg s16  }
0x8: {  	s18 =	simm.s32 $0x8000;
	[dreg:$0x7] =	wrdreg s17  }
0x9: {  	s19 =	simm.s32 $0xFC00;
	[dreg:$0x8] =	wrdreg s18  }
0xa: {  	s20 =	simm.s32 $0x17800;
	[dreg:$0x9] =	wrdreg s19  }
0xb: {  	s21 =	simm.s32 $0x800;
	[dreg:$0xa] =	wrdreg s20  }
0xc: {  	s22 =	simm.s32 $0x8400;
	[dreg:$0xb] =	wrdreg s21  }
0xd: {  	s23 =	simm.s32 $0x10000;
	[dreg:$0xc] =	wrdreg s22  }
0xe: {  	s24 =	simm.s32 $0x17C00;
	[dreg:$0xd] =	wrdreg s23  }
0xf: {  	s25 =	simm.s32 $0xC00;
	[dreg:$0xe] =	wrdreg s24  }
0x10: {  	s26 =	simm.s32 $0x8800;
	[dreg:$0xf] =	wrdreg s25  }
0x11: {  	s28 =	simm.s32 $0x10400;
	[dreg:$0x10] =	wrdreg s26  }
0x12: {  	s29 =	simm.s32 $0x18000;
	[dreg:$0x11] =	wrdreg s28  }
0x13: {  	s30 =	simm.s32 $0x1000;
	[dreg:$0x12] =	wrdreg s29  }
0x14: {  	s31 =	simm.s32 $0x8C00;
	[dreg:$0x13] =	wrdreg s30  }
0x15: {  	s8 =	simm.s32 $0x18400;
	[dreg:$0x14] =	wrdreg s31  }
0x16: {  	s9 =	simm.s32 $0x1400;
	[dreg:$0x16] =	wrdreg s8  }
0x17: {  	s10 =	simm.s32 $0x9000;
	[dreg:$0x17] =	wrdreg s9  }
0x18: {  	s11 =	simm.s32 $0x10C00;
	[dreg:$0x18] =	wrdreg s10  }
0x19: {  	s12 =	simm.s32 $0x18800;
	[dreg:$0x19] =	wrdreg s11  }
0x1a: {  	s13 =	simm.s32 $0x1800;
	[dreg:$0x1a] =	wrdreg s12  }
0x1b: {  	[dreg:$0x1b] =	wrdreg s13;
	s14 =	simm.s32 $0x9400  }
0x1c: {  	s15 =	simm.s32 $0x11000;
	[dreg:$0x1c] =	wrdreg s14  }
0x1d: {  	s16 =	simm.s32 $0x18C00;
	[dreg:$0x1d] =	wrdreg s15  }
0x1e: {  	s17 =	simm.s32 $0x1C00;
	[dreg:$0x1e] =	wrdreg s16  }
0x1f: {  	s18 =	simm.s32 $0x9800;
	[dreg:$0x1f] =	wrdreg s17  }
0x20: {  	s19 =	simm.s32 $0x11400;
	[smem:$0x7DB] =	sst s18  }
0x21: {  	s20 =	simm.s32 $0x19000;
	[smem:$0x7DC] =	sst s19  }
0x22: {  	s21 =	simm.s32 $0x2000;
	[smem:$0x7DD] =	sst s20  }
0x23: {  	s22 =	simm.s32 $0x9C00;
	[smem:$0x7DE] =	sst s21  }
0x24: {  	s23 =	simm.s32 $0x11800;
	[smem:$0x7DF] =	sst s22  }
0x25: {  	s24 =	simm.s32 $0x19400;
	[smem:$0x7E0] =	sst s23  }
0x26: {  	s25 =	simm.s32 $0x2400;
	[smem:$0x7E1] =	sst s24  }
0x27: {  	s26 =	simm.s32 $0xA000;
	[smem:$0x7E2] =	sst s25  }
0x28: {  	s28 =	simm.s32 $0x11C00;
	[smem:$0x7E3] =	sst s26  }
0x29: {  	s29 =	simm.s32 $0x19800;
	[smem:$0x7E4] =	sst s28  }
0x2a: {  	s30 =	simm.s32 $0x2800;
	[smem:$0x7E5] =	sst s29  }
0x2b: {  	s31 =	simm.s32 $0xA400;
	[smem:$0x7E6] =	sst s30  }
0x2c: {  	s8 =	simm.s32 $0x19C00;
	[smem:$0x7E7] =	sst s31  }
0x2d: {  	s1 =	srdreg.scid;
	s9 =	simm.s32 $0x2C00;
	[smem:$0x7E9] =	sst s8  }
0x2e: {  	s5 =	sand.u32 $0x1, s1;
	s10 =	simm.s32 $0xA800;
	[smem:$0x7EA] =	sst s9  }
0x2f: {  	s1 =	stileid.u32;
	s11 =	simm.s32 $0x12400;
	[smem:$0x7EB] =	sst s10  }
0x30: {  	s6 =	sshll.u32 s1, $0x12;
	s12 =	simm.s32 $0x1A000;
	[smem:$0x7EC] =	sst s11  }
0x31: {  	s7 =	sshll.u32 s5, $0x16;
	s13 =	simm.s32 $0x3000;
	[smem:$0x7ED] =	sst s12  }
0x32: {  	s6 =	sor.u32 s7, s6;
	s7 =	simm.s32 $0x10800;
	[smem:$0x7EE] =	sst s13  }
0x33: {  	s14 =	simm.s32 $0xAC00;
	[dreg:$0x15] =	wrdreg s7  }
0x34: {  	s15 =	simm.s32 $0x12800;
	[smem:$0x7EF] =	sst s14  }
0x35: {  	s16 =	simm.s32 $0x1A400;
	[smem:$0x7F0] =	sst s15  }
0x36: {  	s17 =	simm.s32 $0x3400;
	[smem:$0x7F1] =	sst s16  }
0x37: {  	s19 =	simm.s32 $0xB000;
	[smem:$0x7F2] =	sst s17  }
0x38: {  	s20 =	simm.s32 $0x12C00;
	[smem:$0x7F3] =	sst s19  }
0x39: {  	s21 =	simm.s32 $0x1A800;
	[smem:$0x7F4] =	sst s20  }
0x3a: {  	s22 =	simm.s32 $0x3800;
	[smem:$0x7F5] =	sst s21  }
0x3b: {  	s24 =	simm.s32 $0xB400;
	[smem:$0x7F6] =	sst s22  }
0x3c: {  	s25 =	simm.s32 $0x13000;
	[smem:$0x7F7] =	sst s24  }
0x3d: {  	s18 =	smul.u32 $0xF8000, s5;
	s8 =	simm.s32 $0x1AC00;
	[smem:$0x7F8] =	sst s25  }
0x3e: {  	s5 =	ssub.s32 $0x2, s5;
	s28 =	simm.s32 $0x3C00;
	[smem:$0x7F9] =	sst s8  }
0x3f: {  	s26 =	smul.u32 $0xF800, s1;
	s29 =	simm.s32 $0xB800;
	[smem:$0x7FA] =	sst s28  }
0x40: {  	s30 =	simm.s32 $0x13400;
	s31 =	simm.s32 $0x1B000;
	[smem:$0x7FB] =	sst s29  }
0x41: {  	s6 =	ssub.s32 $0x0, s6;
	s7 =	simm.s32 $0x12000;
	[smem:$0x7FC] =	sst s30  }
0x42: {  	s23 =	sshrl.u32 s5, $0x1;
	[smem:$0x7FD] =	sst s31;
	s8 =	simm.s32 $0x0  }
0x43: {  	[smem:$0x7E8] =	sst s7;
	s7 =	sadd.s32 s18, s4;
	s5 =	ssub.s32 s5, s23  }
0x44: {  	[dreg:$0x3] =	wrdreg s6;
	s4 =	smax.u32 s5, $0x1;
	s6 =	sadd.s32 s26, s7  }
0x45: {  	s7 =	simm.s32 $0x1;
	s5 =	sadd.s32 $0x600, s6;
	s6 =	simm.s32 $0x2  }
.LBB2_1:
0x46: {  	[tilespmem:s3], [sflag:$0x2] =	stream.linear.gather [hbm4b:s5+s3], $0x1F000, $0x38;
	[tilespmem:$0x1F000] =	vst v63  }
0x47: {  	_ =	swait.ge [sflag:s6], $0x1F000  }
0x48: {  	s9 =	rddreg [dreg:$0x3]  }
0x49: {  	s9 =	sadd.s32 $0x0, s9  }
0x4a: {  	s10 =	sadd.s32 $0x7FF0000, s9  }
0x4b: {  	[sflag:s6] =	ssyncset.done $0x0;
	s10 =	sshrl.u32 s10, $0x3  }
0x4c: {  	s11 =	rddreg [dreg:$0x4];
	[sflag:s6] =	ssyncadd.s32 $0xFFFE1000;
	s10 =	sadd.s32 s2, s10  }
0x4d: {  	[hbm4b:s10+s3] =	stream.linear.scatter [tilespmem:s3], [sflag:$0x1], $0x4000, $0x38;
	[tilespmem:$0x1F000] =	vst v63  }
0x4e: {  	s13 =	rddreg [dreg:$0x5];
	s12 =	sadd.s32 $0x800, s10  }
0x4f: {  	[hbm4b:s12+s3] =	stream.linear.scatter [tilespmem:s11], [sflag:$0x1], $0x4000, $0x38;
	[tilespmem:$0x1F000] =	vst v63  }
0x50: {  	s14 =	rddreg [dreg:$0x6];
	s30 =	sadd.s32 $0x77F0000, s9;
	s31 =	sadd.s32 $0x1000, s10  }
0x51: {  	[hbm4b:s31+s3] =	stream.linear.scatter [tilespmem:s13], [sflag:$0x1], $0x4000, $0x38;
	[tilespmem:$0x1F000] =	vst v63  }
0x52: {  	s15 =	rddreg [dreg:$0x7];
	s10 =	sadd.s32 $0x1800, s10;
	s11 =	sshrl.u32 s30, $0x3  }
0x53: {  	[hbm4b:s10+s3] =	stream.linear.scatter [tilespmem:s14], [sflag:$0x1], $0x4000, $0x38;
	[tilespmem:$0x1F000] =	vst v63  }
0x54: {  	s17 =	rddreg [dreg:$0x8];
	s16 =	sadd.s32 s2, s11  }
0x55: {  	[hbm4b:s16+s3] =	stream.linear.scatter [tilespmem:s15], [sflag:$0x1], $0x4000, $0x38;
	[tilespmem:$0x1F000] =	vst v63  }
0x56: {  	s19 =	rddreg [dreg:$0x9];
	s18 =	sadd.s32 $0x800, s16  }
0x57: {  	[hbm4b:s18+s3] =	stream.linear.scatter [tilespmem:s17], [sflag:$0x1], $0x4000, $0x38;
	[tilespmem:$0x1F000] =	vst v63  }
0x58: {  	s22 =	rddreg [dreg:$0xa];
	s20 =	sadd.s32 $0x6FF0000, s9;
	s21 =	sadd.s32 $0x1000, s16  }
0x59: {  	[hbm4b:s21+s3] =	stream.linear.scatter [tilespmem:s19], [sflag:$0x1], $0x4000, $0x38;
	[tilespmem:$0x1F000] =	vst v63  }
0x5a: {  	s23 =	rddreg [dreg:$0xb];
	s11 =	sshrl.u32 s20, $0x3;
	s10 =	sadd.s32 $0x1800, s16  }
0x5b: {  	[hbm4b:s10+s3] =	stream.linear.scatter [tilespmem:s22], [sflag:$0x1], $0x4000, $0x38;
	[tilespmem:$0x1F000] =	vst v63  }
0x5c: {  	s25 =	rddreg [dreg:$0xc];
	s24 =	sadd.s32 s2, s11  }
0x5d: {  	[hbm4b:s24+s3] =	stream.linear.scatter [tilespmem:s23], [sflag:$0x1], $0x4000, $0x38;
	[tilespmem:$0x1F000] =	vst v63  }
0x5e: {  	s28 =	rddreg [dreg:$0xd];
	s26 =	sadd.s32 $0x800, s24  }
0x5f: {  	[hbm4b:s26+s3] =	stream.linear.scatter [tilespmem:s25], [sflag:$0x1], $0x4000, $0x38;
	[tilespmem:$0x1F000] =	vst v63  }
0x60: {  	s29 =	sadd.s32 $0x67F0000, s9;
	s31 =	rddreg [dreg:$0xe];
	s30 =	sadd.s32 $0x1000, s24  }
0x61: {  	[hbm4b:s30+s3] =	stream.linear.scatter [tilespmem:s28], [sflag:$0x1], $0x4000, $0x38;
	[tilespmem:$0x1F000] =	vst v63  }
0x62: {  	s11 =	sshrl.u32 s29, $0x3;
	s15 =	rddreg [dreg:$0xf];
	s10 =	sadd.s32 $0x1800, s24  }
0x63: {  	[hbm4b:s10+s3] =	stream.linear.scatter [tilespmem:s31], [sflag:$0x1], $0x4000, $0x38;
	[tilespmem:$0x1F000] =	vst v63  }
0x64: {  	s16 =	sadd.s32 s2, s11;
	s17 =	rddreg [dreg:$0x10]  }
0x65: {  	[hbm4b:s16+s3] =	stream.linear.scatter [tilespmem:s15], [sflag:$0x1], $0x4000, $0x38;
	[tilespmem:$0x1F000] =	vst v63  }
0x66: {  	s18 =	sadd.s32 $0x800, s16;
	s19 =	rddreg [dreg:$0x11]  }
0x67: {  	[hbm4b:s18+s3] =	stream.linear.scatter [tilespmem:s17], [sflag:$0x1], $0x4000, $0x38;
	[tilespmem:$0x1F000] =	vst v63  }
0x68: {  	s20 =	sadd.s32 $0x5FF0000, s9;
	s21 =	sadd.s32 $0x1000, s16;
	s22 =	rddreg [dreg:$0x12]  }
0x69: {  	[hbm4b:s21+s3] =	stream.linear.scatter [tilespmem:s19], [sflag:$0x1], $0x4000, $0x38;
	[tilespmem:$0x1F000] =	vst v63  }
0x6a: {  	s11 =	sshrl.u32 s20, $0x3;
	s23 =	rddreg [dreg:$0x13];
	s10 =	sadd.s32 $0x1800, s16  }
0x6b: {  	[hbm4b:s10+s3] =	stream.linear.scatter [tilespmem:s22], [sflag:$0x1], $0x4000, $0x38;
	[tilespmem:$0x1F000] =	vst v63  }
0x6c: {  	s24 =	sadd.s32 s2, s11;
	s25 =	rddreg [dreg:$0x14]  }
0x6d: {  	[hbm4b:s24+s3] =	stream.linear.scatter [tilespmem:s23], [sflag:$0x1], $0x4000, $0x38;
	[tilespmem:$0x1F000] =	vst v63  }
0x6e: {  	s26 =	sadd.s32 $0x800, s24;
	s28 =	rddreg [dreg:$0x15]  }
0x6f: {  	[hbm4b:s26+s3] =	stream.linear.scatter [tilespmem:s25], [sflag:$0x1], $0x4000, $0x38;
	[tilespmem:$0x1F000] =	vst v63  }
0x70: {  	s29 =	sadd.s32 $0x57F0000, s9;
	s30 =	sadd.s32 $0x1000, s24;
	s31 =	rddreg [dreg:$0x16]  }
0x71: {  	[hbm4b:s30+s3] =	stream.linear.scatter [tilespmem:s28], [sflag:$0x1], $0x4000, $0x38;
	[tilespmem:$0x1F000] =	vst v63  }
0x72: {  	s11 =	sshrl.u32 s29, $0x3;
	s15 =	rddreg [dreg:$0x17];
	s10 =	sadd.s32 $0x1800, s24  }
0x73: {  	[hbm4b:s10+s3] =	stream.linear.scatter [tilespmem:s31], [sflag:$0x1], $0x4000, $0x38;
	[tilespmem:$0x1F000] =	vst v63  }
0x74: {  	s16 =	sadd.s32 s2, s11;
	s17 =	rddreg [dreg:$0x18]  }
0x75: {  	[hbm4b:s16+s3] =	stream.linear.scatter [tilespmem:s15], [sflag:$0x1], $0x4000, $0x38;
	[tilespmem:$0x1F000] =	vst v63  }
0x76: {  	s18 =	sadd.s32 $0x800, s16;
	s19 =	rddreg [dreg:$0x19]  }
0x77: {  	[hbm4b:s18+s3] =	stream.linear.scatter [tilespmem:s17], [sflag:$0x1], $0x4000, $0x38;
	[tilespmem:$0x1F000] =	vst v63  }
0x78: {  	s20 =	sadd.s32 $0x4FF0000, s9;
	s21 =	sadd.s32 $0x1000, s16;
	s22 =	rddreg [dreg:$0x1a]  }
0x79: {  	[hbm4b:s21+s3] =	stream.linear.scatter [tilespmem:s19], [sflag:$0x1], $0x4000, $0x38;
	[tilespmem:$0x1F000] =	vst v63  }
0x7a: {  	s11 =	sshrl.u32 s20, $0x3;
	s23 =	rddreg [dreg:$0x1b];
	s10 =	sadd.s32 $0x1800, s16  }
0x7b: {  	[hbm4b:s10+s3] =	stream.linear.scatter [tilespmem:s22], [sflag:$0x1], $0x4000, $0x38;
	[tilespmem:$0x1F000] =	vst v63  }
0x7c: {  	s24 =	sadd.s32 s2, s11;
	s25 =	rddreg [dreg:$0x1c]  }
0x7d: {  	[hbm4b:s24+s3] =	stream.linear.scatter [tilespmem:s23], [sflag:$0x1], $0x4000, $0x38;
	[tilespmem:$0x1F000] =	vst v63  }
0x7e: {  	s26 =	sadd.s32 $0x800, s24;
	s28 =	rddreg [dreg:$0x1d]  }
0x7f: {  	[hbm4b:s26+s3] =	stream.linear.scatter [tilespmem:s25], [sflag:$0x1], $0x4000, $0x38;
	[tilespmem:$0x1F000] =	vst v63  }
0x80: {  	s29 =	sadd.s32 $0x47F0000, s9;
	s30 =	sadd.s32 $0x1000, s24;
	s31 =	rddreg [dreg:$0x1e]  }
0x81: {  	[hbm4b:s30+s3] =	stream.linear.scatter [tilespmem:s28], [sflag:$0x1], $0x4000, $0x38;
	[tilespmem:$0x1F000] =	vst v63  }
0x82: {  	s11 =	sshrl.u32 s29, $0x3;
	s15 =	rddreg [dreg:$0x1f];
	s10 =	sadd.s32 $0x1800, s24  }
0x83: {  	[hbm4b:s10+s3] =	stream.linear.scatter [tilespmem:s31], [sflag:$0x1], $0x4000, $0x38;
	[tilespmem:$0x1F000] =	vst v63  }
0x84: {  	s16 =	sadd.s32 s2, s11;
	s17 =	sld [smem:$0x7DB]  }
0x85: {  	[hbm4b:s16+s3] =	stream.linear.scatter [tilespmem:s15], [sflag:$0x1], $0x4000, $0x38;
	[tilespmem:$0x1F000] =	vst v63  }
0x86: {  	s18 =	sadd.s32 $0x800, s16;
	s19 =	sld [smem:$0x7DC]  }
0x87: {  	[hbm4b:s18+s3] =	stream.linear.scatter [tilespmem:s17], [sflag:$0x1], $0x4000, $0x38;
	[tilespmem:$0x1F000] =	vst v63  }
0x88: {  	s20 =	sadd.s32 $0x3FF0000, s9;
	s21 =	sadd.s32 $0x1000, s16;
	s22 =	sld [smem:$0x7DD]  }
0x89: {  	[hbm4b:s21+s3] =	stream.linear.scatter [tilespmem:s19], [sflag:$0x1], $0x4000, $0x38;
	[tilespmem:$0x1F000] =	vst v63  }
0x8a: {  	s11 =	sshrl.u32 s20, $0x3;
	s23 =	sld [smem:$0x7DE];
	s10 =	sadd.s32 $0x1800, s16  }
0x8b: {  	[hbm4b:s10+s3] =	stream.linear.scatter [tilespmem:s22], [sflag:$0x1], $0x4000, $0x38;
	[tilespmem:$0x1F000] =	vst v63  }
0x8c: {  	s24 =	sadd.s32 s2, s11;
	s25 =	sld [smem:$0x7DF]  }
0x8d: {  	[hbm4b:s24+s3] =	stream.linear.scatter [tilespmem:s23], [sflag:$0x1], $0x4000, $0x38;
	[tilespmem:$0x1F000] =	vst v63  }
0x8e: {  	s26 =	sadd.s32 $0x800, s24;
	s28 =	sld [smem:$0x7E0]  }
0x8f: {  	[hbm4b:s26+s3] =	stream.linear.scatter [tilespmem:s25], [sflag:$0x1], $0x4000, $0x38;
	[tilespmem:$0x1F000] =	vst v63  }
0x90: {  	s29 =	sadd.s32 $0x37F0000, s9;
	s30 =	sadd.s32 $0x1000, s24;
	s31 =	sld [smem:$0x7E1]  }
0x91: {  	[hbm4b:s30+s3] =	stream.linear.scatter [tilespmem:s28], [sflag:$0x1], $0x4000, $0x38;
	[tilespmem:$0x1F000] =	vst v63  }
0x92: {  	s13 =	sld [smem:$0x7E2];
	s11 =	sshrl.u32 s29, $0x3;
	s10 =	sadd.s32 $0x1800, s24  }
0x93: {  	[hbm4b:s10+s3] =	stream.linear.scatter [tilespmem:s31], [sflag:$0x1], $0x4000, $0x38;
	[tilespmem:$0x1F000] =	vst v63  }
0x94: {  	s14 =	sadd.s32 s2, s11;
	s15 =	sld [smem:$0x7E3]  }
0x95: {  	[hbm4b:s14+s3] =	stream.linear.scatter [tilespmem:s13], [sflag:$0x1], $0x4000, $0x38;
	[tilespmem:$0x1F000] =	vst v63  }
0x96: {  	s16 =	sadd.s32 $0x800, s14;
	s17 =	sld [smem:$0x7E4]  }
0x97: {  	[hbm4b:s16+s3] =	stream.linear.scatter [tilespmem:s15], [sflag:$0x1], $0x4000, $0x38;
	[tilespmem:$0x1F000] =	vst v63  }
0x98: {  	s20 =	sld [smem:$0x7E5];
	s18 =	sadd.s32 $0x2FF0000, s9;
	s19 =	sadd.s32 $0x1000, s14  }
0x99: {  	[hbm4b:s19+s3] =	stream.linear.scatter [tilespmem:s17], [sflag:$0x1], $0x4000, $0x38;
	[tilespmem:$0x1F000] =	vst v63  }
0x9a: {  	s11 =	sshrl.u32 s18, $0x3;
	s21 =	sld [smem:$0x7E6];
	s10 =	sadd.s32 $0x1800, s14  }
0x9b: {  	[hbm4b:s10+s3] =	stream.linear.scatter [tilespmem:s20], [sflag:$0x1], $0x4000, $0x38;
	[tilespmem:$0x1F000] =	vst v63  }
0x9c: {  	s22 =	sadd.s32 s2, s11;
	s23 =	sld [smem:$0x7E7]  }
0x9d: {  	[hbm4b:s22+s3] =	stream.linear.scatter [tilespmem:s21], [sflag:$0x1], $0x4000, $0x38;
	[tilespmem:$0x1F000] =	vst v63  }
0x9e: {  	s24 =	sadd.s32 $0x800, s22;
	s25 =	sld [smem:$0x7E8]  }
0x9f: {  	[hbm4b:s24+s3] =	stream.linear.scatter [tilespmem:s23], [sflag:$0x1], $0x4000, $0x38;
	[tilespmem:$0x1F000] =	vst v63  }
0xa0: {  	s29 =	sld [smem:$0x7E9];
	s26 =	sadd.s32 $0x27F0000, s9;
	s28 =	sadd.s32 $0x1000, s22  }
0xa1: {  	[hbm4b:s28+s3] =	stream.linear.scatter [tilespmem:s25], [sflag:$0x1], $0x4000, $0x38;
	[tilespmem:$0x1F000] =	vst v63  }
0xa2: {  	s11 =	sshrl.u32 s26, $0x3;
	s30 =	sld [smem:$0x7EA];
	s10 =	sadd.s32 $0x1800, s22  }
0xa3: {  	[hbm4b:s10+s3] =	stream.linear.scatter [tilespmem:s29], [sflag:$0x1], $0x4000, $0x38;
	[tilespmem:$0x1F000] =	vst v63  }
0xa4: {  	s31 =	sadd.s32 s2, s11;
	s14 =	sld [smem:$0x7EB]  }
0xa5: {  	[hbm4b:s31+s3] =	stream.linear.scatter [tilespmem:s30], [sflag:$0x1], $0x4000, $0x38;
	[tilespmem:$0x1F000] =	vst v63  }
0xa6: {  	s15 =	sadd.s32 $0x800, s31;
	s16 =	sld [smem:$0x7EC]  }
0xa7: {  	[hbm4b:s15+s3] =	stream.linear.scatter [tilespmem:s14], [sflag:$0x1], $0x4000, $0x38;
	[tilespmem:$0x1F000] =	vst v63  }
0xa8: {  	s18 =	sadd.s32 $0x1000, s31;
	s17 =	sadd.s32 $0x1FF0000, s9;
	s19 =	sld [smem:$0x7ED]  }
0xa9: {  	[hbm4b:s18+s3] =	stream.linear.scatter [tilespmem:s16], [sflag:$0x1], $0x4000, $0x38;
	[tilespmem:$0x1F000] =	vst v63  }
0xaa: {  	s11 =	sshrl.u32 s17, $0x3;
	s20 =	sld [smem:$0x7EE];
	s10 =	sadd.s32 $0x1800, s31  }
0xab: {  	[hbm4b:s10+s3] =	stream.linear.scatter [tilespmem:s19], [sflag:$0x1], $0x4000, $0x38;
	[tilespmem:$0x1F000] =	vst v63  }
0xac: {  	s21 =	sadd.s32 s2, s11;
	s22 =	sld [smem:$0x7EF]  }
0xad: {  	[hbm4b:s21+s3] =	stream.linear.scatter [tilespmem:s20], [sflag:$0x1], $0x4000, $0x38;
	[tilespmem:$0x1F000] =	vst v63  }
0xae: {  	s23 =	sadd.s32 $0x800, s21;
	s24 =	sld [smem:$0x7F0]  }
0xaf: {  	[hbm4b:s23+s3] =	stream.linear.scatter [tilespmem:s22], [sflag:$0x1], $0x4000, $0x38;
	[tilespmem:$0x1F000] =	vst v63  }
0xb0: {  	s26 =	sadd.s32 $0x1000, s21;
	s25 =	sadd.s32 $0x17F0000, s9;
	s28 =	sld [smem:$0x7F1]  }
0xb1: {  	[hbm4b:s26+s3] =	stream.linear.scatter [tilespmem:s24], [sflag:$0x1], $0x4000, $0x38;
	[tilespmem:$0x1F000] =	vst v63  }
0xb2: {  	s11 =	sshrl.u32 s25, $0x3;
	s29 =	sld [smem:$0x7F2];
	s10 =	sadd.s32 $0x1800, s21  }
0xb3: {  	[hbm4b:s10+s3] =	stream.linear.scatter [tilespmem:s28], [sflag:$0x1], $0x4000, $0x38;
	[tilespmem:$0x1F000] =	vst v63  }
0xb4: {  	s30 =	sadd.s32 s2, s11;
	s31 =	sld [smem:$0x7F3]  }
0xb5: {  	[hbm4b:s30+s3] =	stream.linear.scatter [tilespmem:s29], [sflag:$0x1], $0x4000, $0x38;
	[tilespmem:$0x1F000] =	vst v63  }
0xb6: {  	s13 =	sadd.s32 $0x800, s30;
	s14 =	sld [smem:$0x7F4]  }
0xb7: {  	[hbm4b:s13+s3] =	stream.linear.scatter [tilespmem:s31], [sflag:$0x1], $0x4000, $0x38;
	[tilespmem:$0x1F000] =	vst v63  }
0xb8: {  	s17 =	sld [smem:$0x7F5];
	s15 =	sadd.s32 $0xFF0000, s9;
	s16 =	sadd.s32 $0x1000, s30  }
0xb9: {  	[hbm4b:s16+s3] =	stream.linear.scatter [tilespmem:s14], [sflag:$0x1], $0x4000, $0x38;
	[tilespmem:$0x1F000] =	vst v63  }
0xba: {  	s11 =	sshrl.u32 s15, $0x3;
	s18 =	sld [smem:$0x7F6];
	s10 =	sadd.s32 $0x1800, s30  }
0xbb: {  	[hbm4b:s10+s3] =	stream.linear.scatter [tilespmem:s17], [sflag:$0x1], $0x4000, $0x38;
	[tilespmem:$0x1F000] =	vst v63  }
0xbc: {  	s19 =	sadd.s32 s2, s11;
	s20 =	sld [smem:$0x7F7]  }
0xbd: {  	[hbm4b:s19+s3] =	stream.linear.scatter [tilespmem:s18], [sflag:$0x1], $0x4000, $0x38;
	[tilespmem:$0x1F000] =	vst v63  }
0xbe: {  	s21 =	sadd.s32 $0x800, s19;
	s22 =	sld [smem:$0x7F8]  }
0xbf: {  	[hbm4b:s21+s3] =	stream.linear.scatter [tilespmem:s20], [sflag:$0x1], $0x4000, $0x38;
	[tilespmem:$0x1F000] =	vst v63  }
0xc0: {  	s9 =	sadd.s32 $0x7F0000, s9;
	s23 =	sadd.s32 $0x1000, s19;
	s24 =	sld [smem:$0x7F9]  }
0xc1: {  	[hbm4b:s23+s3] =	stream.linear.scatter [tilespmem:s22], [sflag:$0x1], $0x4000, $0x38;
	[tilespmem:$0x1F000] =	vst v63  }
0xc2: {  	s25 =	sld [smem:$0x7FA];
	s9 =	sshrl.u32 s9, $0x3;
	s10 =	sadd.s32 $0x1800, s19  }
0xc3: {  	[hbm4b:s10+s3] =	stream.linear.scatter [tilespmem:s24], [sflag:$0x1], $0x4000, $0x38;
	[tilespmem:$0x1F000] =	vst v63  }
0xc4: {  	s9 =	sadd.s32 s2, s9;
	s26 =	sld [smem:$0x7FB]  }
0xc5: {  	[hbm4b:s9+s3] =	stream.linear.scatter [tilespmem:s25], [sflag:$0x1], $0x4000, $0x38;
	[tilespmem:$0x1F000] =	vst v63  }
0xc6: {  	s28 =	sadd.s32 $0x800, s9;
	s29 =	sld [smem:$0x7FC]  }
0xc7: {  	[hbm4b:s28+s3] =	stream.linear.scatter [tilespmem:s26], [sflag:$0x1], $0x4000, $0x38;
	[tilespmem:$0x1F000] =	vst v63  }
0xc8: {  	s30 =	sadd.s32 $0x1000, s9;
	s31 =	sld [smem:$0x7FD]  }
0xc9: {  	[hbm4b:s30+s3] =	stream.linear.scatter [tilespmem:s29], [sflag:$0x1], $0x4000, $0x38;
	[tilespmem:$0x1F000] =	vst v63  }
0xca: {  	s9 =	sadd.s32 $0x1800, s9  }
0xcb: {  	[hbm4b:s9+s3] =	stream.linear.scatter [tilespmem:s31], [sflag:$0x1], $0x4000, $0x38;
	[tilespmem:$0x1F000] =	vst v63  }
0xcc: {  	_ =	swait.ge [sflag:s7], $0x10000  }
0xcd: {  	[sflag:s7] =	ssyncset.done $0x0  }
0xce: {  	[sflag:s7] =	ssyncadd.s32 $0xFFFF0000  }
0xcf: {  	_ =	swait.ge [sflag:s7], $0x10000  }
0xd0: {  	[sflag:s7] =	ssyncset.done $0x0  }
0xd1: {  	[sflag:s7] =	ssyncadd.s32 $0xFFFF0000  }
0xd2: {  	_ =	swait.ge [sflag:s7], $0x10000  }
0xd3: {  	[sflag:s7] =	ssyncset.done $0x0  }
0xd4: {  	[sflag:s7] =	ssyncadd.s32 $0xFFFF0000  }
0xd5: {  	_ =	swait.ge [sflag:s7], $0x10000  }
0xd6: {  	[sflag:s7] =	ssyncset.done $0x0  }
0xd7: {  	[sflag:s7] =	ssyncadd.s32 $0xFFFF0000  }
0xd8: {  	_ =	swait.ge [sflag:s7], $0x10000  }
0xd9: {  	[sflag:s7] =	ssyncset.done $0x0  }
0xda: {  	[sflag:s7] =	ssyncadd.s32 $0xFFFF0000  }
0xdb: {  	_ =	swait.ge [sflag:s7], $0x10000  }
0xdc: {  	[sflag:s7] =	ssyncset.done $0x0  }
0xdd: {  	[sflag:s7] =	ssyncadd.s32 $0xFFFF0000  }
0xde: {  	_ =	swait.ge [sflag:s7], $0x10000  }
0xdf: {  	[sflag:s7] =	ssyncset.done $0x0  }
0xe0: {  	[sflag:s7] =	ssyncadd.s32 $0xFFFF0000  }
0xe1: {  	_ =	swait.ge [sflag:s7], $0x10000  }
0xe2: {  	[sflag:s7] =	ssyncset.done $0x0  }
0xe3: {  	[sflag:s7] =	ssyncadd.s32 $0xFFFF0000  }
0xe4: {  	_ =	swait.ge [sflag:s7], $0x10000  }
0xe5: {  	[sflag:s7] =	ssyncset.done $0x0  }
0xe6: {  	[sflag:s7] =	ssyncadd.s32 $0xFFFF0000  }
0xe7: {  	_ =	swait.ge [sflag:s7], $0x10000  }
0xe8: {  	[sflag:s7] =	ssyncset.done $0x0  }
0xe9: {  	[sflag:s7] =	ssyncadd.s32 $0xFFFF0000  }
0xea: {  	_ =	swait.ge [sflag:s7], $0x10000  }
0xeb: {  	[sflag:s7] =	ssyncset.done $0x0  }
0xec: {  	[sflag:s7] =	ssyncadd.s32 $0xFFFF0000  }
0xed: {  	_ =	swait.ge [sflag:s7], $0x10000  }
0xee: {  	[sflag:s7] =	ssyncset.done $0x0  }
0xef: {  	[sflag:s7] =	ssyncadd.s32 $0xFFFF0000  }
0xf0: {  	_ =	swait.ge [sflag:s7], $0x10000  }
0xf1: {  	[sflag:s7] =	ssyncset.done $0x0  }
0xf2: {  	[sflag:s7] =	ssyncadd.s32 $0xFFFF0000  }
0xf3: {  	_ =	swait.ge [sflag:s7], $0x10000  }
0xf4: {  	[sflag:s7] =	ssyncset.done $0x0  }
0xf5: {  	[sflag:s7] =	ssyncadd.s32 $0xFFFF0000  }
0xf6: {  	_ =	swait.ge [sflag:s7], $0x10000  }
0xf7: {  	[sflag:s7] =	ssyncset.done $0x0  }
0xf8: {  	[sflag:s7] =	ssyncadd.s32 $0xFFFF0000  }
0xf9: {  	_ =	swait.ge [sflag:s7], $0x10000  }
0xfa: {  	s10 =	smov.u32 s5;
	s9 =	simm.s32 $0xFFFF0000;
	[sflag:s7] =	ssyncset.done $0x0  }
.LBB2_2:
0xfb: {  	[sflag:s7] =	ssyncadd.s32 $0xFFFF0000;
	s10 =	sadd.s32 $0x3E00, s10  }
0xfc: {  	[tilespmem:s3], [sflag:$0x2] =	stream.linear.gather [hbm4b:s10+s3], $0x1F000, $0x38;
	[tilespmem:$0x1F000] =	vst v63  }
0xfd: {  	_ =	swait.ge [sflag:s6], $0x1F000  }
0xfe: {  	s11 =	smov.u32 s9;
	s12 =	rddreg [dreg:$0x3]  }
0xff: {  	s11 =	sadd.s32 s11, s12  }
0x100: {  	s12 =	sadd.s32 $0x7FF0000, s11  }
0x101: {  	[sflag:s6] =	ssyncset.done $0x0;
	s15 =	rddreg [dreg:$0x4];
	s12 =	sshrl.u32 s12, $0x3  }
0x102: {  	s17 =	rddreg [dreg:$0x5];
	[sflag:s6] =	ssyncadd.s32 $0xFFFE1000;
	s12 =	sadd.s32 s2, s12  }
0x103: {  	[hbm4b:s12+s3] =	stream.linear.scatter [tilespmem:s3], [sflag:$0x1], $0x4000, $0x38;
	[tilespmem:$0x1F000] =	vst v63  }
0x104: {  	s19 =	rddreg [dreg:$0x6];
	s16 =	sadd.s32 $0x800, s12  }
0x105: {  	[hbm4b:s16+s3] =	stream.linear.scatter [tilespmem:s15], [sflag:$0x1], $0x4000, $0x38;
	[tilespmem:$0x1F000] =	vst v63  }
0x106: {  	s21 =	rddreg [dreg:$0x7];
	s13 =	sadd.s32 $0x77F0000, s11;
	s16 =	sadd.s32 $0x1000, s12  }
0x107: {  	[hbm4b:s16+s3] =	stream.linear.scatter [tilespmem:s17], [sflag:$0x1], $0x4000, $0x38;
	[tilespmem:$0x1F000] =	vst v63  }
0x108: {  	s23 =	rddreg [dreg:$0x8];
	s13 =	sshrl.u32 s13, $0x3;
	s12 =	sadd.s32 $0x1800, s12  }
0x109: {  	[hbm4b:s12+s3] =	stream.linear.scatter [tilespmem:s19], [sflag:$0x1], $0x4000, $0x38;
	[tilespmem:$0x1F000] =	vst v63  }
0x10a: {  	s28 =	rddreg [dreg:$0xa];
	s22 =	sadd.s32 s2, s13  }
0x10b: {  	[hbm4b:s22+s3] =	stream.linear.scatter [tilespmem:s21], [sflag:$0x1], $0x4000, $0x38;
	[tilespmem:$0x1F000] =	vst v63  }
0x10c: {  	s30 =	rddreg [dreg:$0xb];
	s14 =	sadd.s32 $0x6FF0000, s11;
	s25 =	sadd.s32 $0x800, s22  }
0x10d: {  	[hbm4b:s25+s3] =	stream.linear.scatter [tilespmem:s23], [sflag:$0x1], $0x4000, $0x38;
	[tilespmem:$0x1F000] =	vst v63  }
0x10e: {  	s20 =	sadd.s32 $0x67F0000, s11;
	s26 =	sadd.s32 $0x1000, s22;
	s19 =	rddreg [dreg:$0x9]  }
0x10f: {  	[hbm4b:s26+s3] =	stream.linear.scatter [tilespmem:s19], [sflag:$0x1], $0x4000, $0x38;
	[tilespmem:$0x1F000] =	vst v63  }
0x110: {  	s24 =	sadd.s32 $0x5FF0000, s11;
	s18 =	sshrl.u32 s14, $0x3;
	s12 =	sadd.s32 $0x1800, s22  }
0x111: {  	[hbm4b:s12+s3] =	stream.linear.scatter [tilespmem:s28], [sflag:$0x1], $0x4000, $0x38;
	[tilespmem:$0x1F000] =	vst v63  }
0x112: {  	s14 =	sshrl.u32 s24, $0x3;
	s24 =	rddreg [dreg:$0xe];
	s31 =	sadd.s32 s2, s18  }
0x113: {  	[hbm4b:s31+s3] =	stream.linear.scatter [tilespmem:s30], [sflag:$0x1], $0x4000, $0x38;
	[tilespmem:$0x1F000] =	vst v63  }
0x114: {  	s18 =	sadd.s32 $0x800, s31;
	s16 =	sshrl.u32 s20, $0x3;
	s20 =	rddreg [dreg:$0xc]  }
0x115: {  	[hbm4b:s18+s3] =	stream.linear.scatter [tilespmem:s20], [sflag:$0x1], $0x4000, $0x38;
	[tilespmem:$0x1F000] =	vst v63  }
0x116: {  	s29 =	sadd.s32 $0x57F0000, s11;
	s22 =	rddreg [dreg:$0xd];
	s23 =	sadd.s32 $0x1000, s31  }
0x117: {  	[hbm4b:s23+s3] =	stream.linear.scatter [tilespmem:s22], [sflag:$0x1], $0x4000, $0x38;
	[tilespmem:$0x1F000] =	vst v63  }
0x118: {  	s13 =	sshrl.u32 s29, $0x3;
	s15 =	sadd.s32 $0x1800, s31;
	s25 =	rddreg [dreg:$0xf]  }
0x119: {  	[hbm4b:s15+s3] =	stream.linear.scatter [tilespmem:s24], [sflag:$0x1], $0x4000, $0x38;
	[tilespmem:$0x1F000] =	vst v63  }
0x11a: {  	s21 =	sadd.s32 $0x4FF0000, s11;
	s26 =	sadd.s32 s2, s16;
	s28 =	rddreg [dreg:$0x10]  }
0x11b: {  	[hbm4b:s26+s3] =	stream.linear.scatter [tilespmem:s25], [sflag:$0x1], $0x4000, $0x38;
	[tilespmem:$0x1F000] =	vst v63  }
0x11c: {  	s12 =	sshrl.u32 s21, $0x3;
	s21 =	rddreg [dreg:$0x12];
	s30 =	sadd.s32 $0x800, s26  }
0x11d: {  	[hbm4b:s30+s3] =	stream.linear.scatter [tilespmem:s28], [sflag:$0x1], $0x4000, $0x38;
	[tilespmem:$0x1F000] =	vst v63  }
0x11e: {  	s29 =	sadd.s32 $0x3FF0000, s11;
	s17 =	sadd.s32 $0x1000, s26;
	s31 =	rddreg [dreg:$0x11]  }
0x11f: {  	[hbm4b:s17+s3] =	stream.linear.scatter [tilespmem:s31], [sflag:$0x1], $0x4000, $0x38;
	[tilespmem:$0x1F000] =	vst v63  }
0x120: {  	s18 =	sshrl.u32 s29, $0x3;
	s29 =	rddreg [dreg:$0x16];
	s15 =	sadd.s32 $0x1800, s26  }
0x121: {  	[hbm4b:s15+s3] =	stream.linear.scatter [tilespmem:s21], [sflag:$0x1], $0x4000, $0x38;
	[tilespmem:$0x1F000] =	vst v63  }
0x122: {  	s14 =	sadd.s32 s2, s14;
	s13 =	sadd.s32 s2, s13;
	s23 =	rddreg [dreg:$0x13]  }
0x123: {  	[hbm4b:s14+s3] =	stream.linear.scatter [tilespmem:s23], [sflag:$0x1], $0x4000, $0x38;
	[tilespmem:$0x1F000] =	vst v63  }
0x124: {  	s22 =	sadd.s32 $0x37F0000, s11;
	s24 =	rddreg [dreg:$0x14];
	s26 =	sadd.s32 $0x800, s14  }
0x125: {  	[hbm4b:s26+s3] =	stream.linear.scatter [tilespmem:s24], [sflag:$0x1], $0x4000, $0x38;
	[tilespmem:$0x1F000] =	vst v63  }
0x126: {  	s28 =	sadd.s32 $0x1000, s14;
	s17 =	sshrl.u32 s22, $0x3;
	s22 =	rddreg [dreg:$0x15]  }
0x127: {  	[hbm4b:s28+s3] =	stream.linear.scatter [tilespmem:s22], [sflag:$0x1], $0x4000, $0x38;
	[tilespmem:$0x1F000] =	vst v63  }
0x128: {  	s25 =	sadd.s32 $0x2FF0000, s11;
	s31 =	rddreg [dreg:$0x17];
	s14 =	sadd.s32 $0x1800, s14  }
0x129: {  	[hbm4b:s14+s3] =	stream.linear.scatter [tilespmem:s29], [sflag:$0x1], $0x4000, $0x38;
	[tilespmem:$0x1F000] =	vst v63  }
0x12a: {  	s16 =	sshrl.u32 s25, $0x3;
	s30 =	sadd.s32 $0x27F0000, s11;
	s23 =	rddreg [dreg:$0x18]  }
0x12b: {  	[hbm4b:s13+s3] =	stream.linear.scatter [tilespmem:s31], [sflag:$0x1], $0x4000, $0x38;
	[tilespmem:$0x1F000] =	vst v63  }
0x12c: {  	s25 =	sadd.s32 $0x800, s13;
	s15 =	sshrl.u32 s30, $0x3;
	s26 =	rddreg [dreg:$0x19]  }
0x12d: {  	[hbm4b:s25+s3] =	stream.linear.scatter [tilespmem:s23], [sflag:$0x1], $0x4000, $0x38;
	[tilespmem:$0x1F000] =	vst v63  }
0x12e: {  	s24 =	sadd.s32 $0x1FF0000, s11;
	s28 =	sadd.s32 $0x1000, s13;
	s29 =	rddreg [dreg:$0x1a]  }
0x12f: {  	[hbm4b:s28+s3] =	stream.linear.scatter [tilespmem:s26], [sflag:$0x1], $0x4000, $0x38;
	[tilespmem:$0x1F000] =	vst v63  }
0x130: {  	s30 =	sadd.s32 $0x1800, s13;
	s14 =	sshrl.u32 s24, $0x3;
	s31 =	rddreg [dreg:$0x1b]  }
0x131: {  	[hbm4b:s30+s3] =	stream.linear.scatter [tilespmem:s29], [sflag:$0x1], $0x4000, $0x38;
	[tilespmem:$0x1F000] =	vst v63  }
0x132: {  	s24 =	sadd.s32 s2, s12;
	s23 =	sadd.s32 $0x17F0000, s11;
	s25 =	rddreg [dreg:$0x1c]  }
0x133: {  	[hbm4b:s24+s3] =	stream.linear.scatter [tilespmem:s31], [sflag:$0x1], $0x4000, $0x38;
	[tilespmem:$0x1F000] =	vst v63  }
0x134: {  	s13 =	sshrl.u32 s23, $0x3;
	s23 =	rddreg [dreg:$0x1f];
	s28 =	sadd.s32 $0x800, s24  }
0x135: {  	[hbm4b:s28+s3] =	stream.linear.scatter [tilespmem:s25], [sflag:$0x1], $0x4000, $0x38;
	[tilespmem:$0x1F000] =	vst v63  }
0x136: {  	s20 =	sadd.s32 $0x47F0000, s11;
	s29 =	rddreg [dreg:$0x1d];
	s30 =	sadd.s32 $0x1000, s24  }
0x137: {  	[hbm4b:s30+s3] =	stream.linear.scatter [tilespmem:s29], [sflag:$0x1], $0x4000, $0x38;
	[tilespmem:$0x1F000] =	vst v63  }
0x138: {  	s19 =	sshrl.u32 s20, $0x3;
	s20 =	sadd.s32 $0x1800, s24;
	s31 =	rddreg [dreg:$0x1e]  }
0x139: {  	[hbm4b:s20+s3] =	stream.linear.scatter [tilespmem:s31], [sflag:$0x1], $0x4000, $0x38;
	[tilespmem:$0x1F000] =	vst v63  }
0x13a: {  	s19 =	sadd.s32 s2, s19;
	s26 =	sadd.s32 $0xFF0000, s11;
	s24 =	sld [smem:$0x7DB]  }
0x13b: {  	[hbm4b:s19+s3] =	stream.linear.scatter [tilespmem:s23], [sflag:$0x1], $0x4000, $0x38;
	[tilespmem:$0x1F000] =	vst v63  }
0x13c: {  	s12 =	sshrl.u32 s26, $0x3;
	s26 =	sld [smem:$0x7DC];
	s25 =	sadd.s32 $0x800, s19  }
0x13d: {  	[hbm4b:s25+s3] =	stream.linear.scatter [tilespmem:s24], [sflag:$0x1], $0x4000, $0x38;
	[tilespmem:$0x1F000] =	vst v63  }
0x13e: {  	s28 =	sadd.s32 $0x1000, s19;
	s29 =	sld [smem:$0x7DD]  }
0x13f: {  	[hbm4b:s28+s3] =	stream.linear.scatter [tilespmem:s26], [sflag:$0x1], $0x4000, $0x38;
	[tilespmem:$0x1F000] =	vst v63  }
0x140: {  	s30 =	sld [smem:$0x7DE];
	s19 =	sadd.s32 $0x1800, s19  }
0x141: {  	[hbm4b:s19+s3] =	stream.linear.scatter [tilespmem:s29], [sflag:$0x1], $0x4000, $0x38;
	[tilespmem:$0x1F000] =	vst v63  }
0x142: {  	s18 =	sadd.s32 s2, s18;
	s31 =	sld [smem:$0x7DF]  }
0x143: {  	[hbm4b:s18+s3] =	stream.linear.scatter [tilespmem:s30], [sflag:$0x1], $0x4000, $0x38;
	[tilespmem:$0x1F000] =	vst v63  }
0x144: {  	s21 =	sadd.s32 $0x800, s18;
	s22 =	sld [smem:$0x7E0]  }
0x145: {  	[hbm4b:s21+s3] =	stream.linear.scatter [tilespmem:s31], [sflag:$0x1], $0x4000, $0x38;
	[tilespmem:$0x1F000] =	vst v63  }
0x146: {  	s23 =	sadd.s32 $0x1000, s18;
	s24 =	sld [smem:$0x7E1]  }
0x147: {  	[hbm4b:s23+s3] =	stream.linear.scatter [tilespmem:s22], [sflag:$0x1], $0x4000, $0x38;
	[tilespmem:$0x1F000] =	vst v63  }
0x148: {  	s25 =	sld [smem:$0x7E2];
	s18 =	sadd.s32 $0x1800, s18  }
0x149: {  	[hbm4b:s18+s3] =	stream.linear.scatter [tilespmem:s24], [sflag:$0x1], $0x4000, $0x38;
	[tilespmem:$0x1F000] =	vst v63  }
0x14a: {  	s17 =	sadd.s32 s2, s17;
	s26 =	sld [smem:$0x7E3]  }
0x14b: {  	[hbm4b:s17+s3] =	stream.linear.scatter [tilespmem:s25], [sflag:$0x1], $0x4000, $0x38;
	[tilespmem:$0x1F000] =	vst v63  }
0x14c: {  	s28 =	sadd.s32 $0x800, s17;
	s29 =	sld [smem:$0x7E4]  }
0x14d: {  	[hbm4b:s28+s3] =	stream.linear.scatter [tilespmem:s26], [sflag:$0x1], $0x4000, $0x38;
	[tilespmem:$0x1F000] =	vst v63  }
0x14e: {  	s30 =	sadd.s32 $0x1000, s17;
	s31 =	sld [smem:$0x7E5]  }
0x14f: {  	[hbm4b:s30+s3] =	stream.linear.scatter [tilespmem:s29], [sflag:$0x1], $0x4000, $0x38;
	[tilespmem:$0x1F000] =	vst v63  }
0x150: {  	s21 =	sld [smem:$0x7E6];
	s17 =	sadd.s32 $0x1800, s17  }
0x151: {  	[hbm4b:s17+s3] =	stream.linear.scatter [tilespmem:s31], [sflag:$0x1], $0x4000, $0x38;
	[tilespmem:$0x1F000] =	vst v63  }
0x152: {  	s16 =	sadd.s32 s2, s16;
	s22 =	sld [smem:$0x7E7]  }
0x153: {  	[hbm4b:s16+s3] =	stream.linear.scatter [tilespmem:s21], [sflag:$0x1], $0x4000, $0x38;
	[tilespmem:$0x1F000] =	vst v63  }
0x154: {  	s23 =	sadd.s32 $0x800, s16;
	s24 =	sld [smem:$0x7E8]  }
0x155: {  	[hbm4b:s23+s3] =	stream.linear.scatter [tilespmem:s22], [sflag:$0x1], $0x4000, $0x38;
	[tilespmem:$0x1F000] =	vst v63  }
0x156: {  	s25 =	sadd.s32 $0x1000, s16;
	s26 =	sld [smem:$0x7E9]  }
0x157: {  	[hbm4b:s25+s3] =	stream.linear.scatter [tilespmem:s24], [sflag:$0x1], $0x4000, $0x38;
	[tilespmem:$0x1F000] =	vst v63  }
0x158: {  	s28 =	sld [smem:$0x7EA];
	s16 =	sadd.s32 $0x1800, s16  }
0x159: {  	[hbm4b:s16+s3] =	stream.linear.scatter [tilespmem:s26], [sflag:$0x1], $0x4000, $0x38;
	[tilespmem:$0x1F000] =	vst v63  }
0x15a: {  	s15 =	sadd.s32 s2, s15;
	s29 =	sld [smem:$0x7EB]  }
0x15b: {  	[hbm4b:s15+s3] =	stream.linear.scatter [tilespmem:s28], [sflag:$0x1], $0x4000, $0x38;
	[tilespmem:$0x1F000] =	vst v63  }
0x15c: {  	s30 =	sadd.s32 $0x800, s15;
	s31 =	sld [smem:$0x7EC]  }
0x15d: {  	[hbm4b:s30+s3] =	stream.linear.scatter [tilespmem:s29], [sflag:$0x1], $0x4000, $0x38;
	[tilespmem:$0x1F000] =	vst v63  }
0x15e: {  	s20 =	sld [smem:$0x7ED];
	s19 =	sadd.s32 $0x1000, s15  }
0x15f: {  	[hbm4b:s19+s3] =	stream.linear.scatter [tilespmem:s31], [sflag:$0x1], $0x4000, $0x38;
	[tilespmem:$0x1F000] =	vst v63  }
0x160: {  	s21 =	sld [smem:$0x7EE];
	s15 =	sadd.s32 $0x1800, s15  }
0x161: {  	[hbm4b:s15+s3] =	stream.linear.scatter [tilespmem:s20], [sflag:$0x1], $0x4000, $0x38;
	[tilespmem:$0x1F000] =	vst v63  }
0x162: {  	s14 =	sadd.s32 s2, s14;
	s22 =	sld [smem:$0x7EF]  }
0x163: {  	[hbm4b:s14+s3] =	stream.linear.scatter [tilespmem:s21], [sflag:$0x1], $0x4000, $0x38;
	[tilespmem:$0x1F000] =	vst v63  }
0x164: {  	s23 =	sadd.s32 $0x800, s14;
	s24 =	sld [smem:$0x7F0]  }
0x165: {  	[hbm4b:s23+s3] =	stream.linear.scatter [tilespmem:s22], [sflag:$0x1], $0x4000, $0x38;
	[tilespmem:$0x1F000] =	vst v63  }
0x166: {  	s25 =	sadd.s32 $0x1000, s14;
	s26 =	sld [smem:$0x7F1]  }
0x167: {  	[hbm4b:s25+s3] =	stream.linear.scatter [tilespmem:s24], [sflag:$0x1], $0x4000, $0x38;
	[tilespmem:$0x1F000] =	vst v63  }
0x168: {  	s28 =	sld [smem:$0x7F2];
	s14 =	sadd.s32 $0x1800, s14  }
0x169: {  	[hbm4b:s14+s3] =	stream.linear.scatter [tilespmem:s26], [sflag:$0x1], $0x4000, $0x38;
	[tilespmem:$0x1F000] =	vst v63  }
0x16a: {  	s13 =	sadd.s32 s2, s13;
	s29 =	sld [smem:$0x7F3]  }
0x16b: {  	[hbm4b:s13+s3] =	stream.linear.scatter [tilespmem:s28], [sflag:$0x1], $0x4000, $0x38;
	[tilespmem:$0x1F000] =	vst v63  }
0x16c: {  	s30 =	sadd.s32 $0x800, s13;
	s31 =	sld [smem:$0x7F4]  }
0x16d: {  	[hbm4b:s30+s3] =	stream.linear.scatter [tilespmem:s29], [sflag:$0x1], $0x4000, $0x38;
	[tilespmem:$0x1F000] =	vst v63  }
0x16e: {  	s18 =	sld [smem:$0x7F5];
	s17 =	sadd.s32 $0x1000, s13  }
0x16f: {  	[hbm4b:s17+s3] =	stream.linear.scatter [tilespmem:s31], [sflag:$0x1], $0x4000, $0x38;
	[tilespmem:$0x1F000] =	vst v63  }
0x170: {  	s19 =	sld [smem:$0x7F6];
	s13 =	sadd.s32 $0x1800, s13  }
0x171: {  	[hbm4b:s13+s3] =	stream.linear.scatter [tilespmem:s18], [sflag:$0x1], $0x4000, $0x38;
	[tilespmem:$0x1F000] =	vst v63  }
0x172: {  	s12 =	sadd.s32 s2, s12;
	s20 =	sld [smem:$0x7F7]  }
0x173: {  	[hbm4b:s12+s3] =	stream.linear.scatter [tilespmem:s19], [sflag:$0x1], $0x4000, $0x38;
	[tilespmem:$0x1F000] =	vst v63  }
0x174: {  	s21 =	sadd.s32 $0x800, s12;
	s22 =	sld [smem:$0x7F8]  }
0x175: {  	[hbm4b:s21+s3] =	stream.linear.scatter [tilespmem:s20], [sflag:$0x1], $0x4000, $0x38;
	[tilespmem:$0x1F000] =	vst v63  }
0x176: {  	s11 =	sadd.s32 $0x7F0000, s11;
	s23 =	sadd.s32 $0x1000, s12;
	s24 =	sld [smem:$0x7F9]  }
0x177: {  	[hbm4b:s23+s3] =	stream.linear.scatter [tilespmem:s22], [sflag:$0x1], $0x4000, $0x38;
	[tilespmem:$0x1F000] =	vst v63  }
0x178: {  	s11 =	sshrl.u32 s11, $0x3;
	s25 =	sld [smem:$0x7FA];
	s12 =	sadd.s32 $0x1800, s12  }
0x179: {  	[hbm4b:s12+s3] =	stream.linear.scatter [tilespmem:s24], [sflag:$0x1], $0x4000, $0x38;
	[tilespmem:$0x1F000] =	vst v63  }
0x17a: {  	s11 =	sadd.s32 s2, s11;
	s26 =	sld [smem:$0x7FB]  }
0x17b: {  	[hbm4b:s11+s3] =	stream.linear.scatter [tilespmem:s25], [sflag:$0x1], $0x4000, $0x38;
	[tilespmem:$0x1F000] =	vst v63  }
0x17c: {  	s28 =	sadd.s32 $0x800, s11;
	s29 =	sld [smem:$0x7FC]  }
0x17d: {  	[hbm4b:s28+s3] =	stream.linear.scatter [tilespmem:s26], [sflag:$0x1], $0x4000, $0x38;
	[tilespmem:$0x1F000] =	vst v63  }
0x17e: {  	s30 =	sadd.s32 $0x1000, s11;
	s31 =	sld [smem:$0x7FD]  }
0x17f: {  	[hbm4b:s30+s3] =	stream.linear.scatter [tilespmem:s29], [sflag:$0x1], $0x4000, $0x38;
	[tilespmem:$0x1F000] =	vst v63  }
0x180: {  	s11 =	sadd.s32 $0x1800, s11  }
0x181: {  	[hbm4b:s11+s3] =	stream.linear.scatter [tilespmem:s31], [sflag:$0x1], $0x4000, $0x38;
	[tilespmem:$0x1F000] =	vst v63  }
0x182: {  	_ =	swait.ge [sflag:s7], $0x10000  }
0x183: {  	[sflag:s7] =	ssyncset.done $0x0  }
0x184: {  	[sflag:s7] =	ssyncadd.s32 $0xFFFF0000  }
0x185: {  	_ =	swait.ge [sflag:s7], $0x10000  }
0x186: {  	[sflag:s7] =	ssyncset.done $0x0  }
0x187: {  	[sflag:s7] =	ssyncadd.s32 $0xFFFF0000  }
0x188: {  	_ =	swait.ge [sflag:s7], $0x10000  }
0x189: {  	[sflag:s7] =	ssyncset.done $0x0  }
0x18a: {  	[sflag:s7] =	ssyncadd.s32 $0xFFFF0000  }
0x18b: {  	_ =	swait.ge [sflag:s7], $0x10000  }
0x18c: {  	[sflag:s7] =	ssyncset.done $0x0  }
0x18d: {  	[sflag:s7] =	ssyncadd.s32 $0xFFFF0000  }
0x18e: {  	_ =	swait.ge [sflag:s7], $0x10000  }
0x18f: {  	[sflag:s7] =	ssyncset.done $0x0  }
0x190: {  	[sflag:s7] =	ssyncadd.s32 $0xFFFF0000  }
0x191: {  	_ =	swait.ge [sflag:s7], $0x10000  }
0x192: {  	[sflag:s7] =	ssyncset.done $0x0  }
0x193: {  	[sflag:s7] =	ssyncadd.s32 $0xFFFF0000  }
0x194: {  	_ =	swait.ge [sflag:s7], $0x10000  }
0x195: {  	[sflag:s7] =	ssyncset.done $0x0  }
0x196: {  	[sflag:s7] =	ssyncadd.s32 $0xFFFF0000  }
0x197: {  	_ =	swait.ge [sflag:s7], $0x10000  }
0x198: {  	[sflag:s7] =	ssyncset.done $0x0  }
0x199: {  	[sflag:s7] =	ssyncadd.s32 $0xFFFF0000  }
0x19a: {  	_ =	swait.ge [sflag:s7], $0x10000  }
0x19b: {  	[sflag:s7] =	ssyncset.done $0x0  }
0x19c: {  	[sflag:s7] =	ssyncadd.s32 $0xFFFF0000  }
0x19d: {  	_ =	swait.ge [sflag:s7], $0x10000  }
0x19e: {  	[sflag:s7] =	ssyncset.done $0x0  }
0x19f: {  	[sflag:s7] =	ssyncadd.s32 $0xFFFF0000  }
0x1a0: {  	_ =	swait.ge [sflag:s7], $0x10000  }
0x1a1: {  	[sflag:s7] =	ssyncset.done $0x0  }
0x1a2: {  	[sflag:s7] =	ssyncadd.s32 $0xFFFF0000  }
0x1a3: {  	_ =	swait.ge [sflag:s7], $0x10000  }
0x1a4: {  	[sflag:s7] =	ssyncset.done $0x0  }
0x1a5: {  	[sflag:s7] =	ssyncadd.s32 $0xFFFF0000  }
0x1a6: {  	_ =	swait.ge [sflag:s7], $0x10000  }
0x1a7: {  	[sflag:s7] =	ssyncset.done $0x0  }
0x1a8: {  	[sflag:s7] =	ssyncadd.s32 $0xFFFF0000  }
0x1a9: {  	_ =	swait.ge [sflag:s7], $0x10000  }
0x1aa: {  	[sflag:s7] =	ssyncset.done $0x0  }
0x1ab: {  	p0 =	sne.s32 s9, $0xFFFD0000;
	[sflag:s7] =	ssyncadd.s32 $0xFFFF0000  }
.Ltmp0:
0x1ac: {  	_ =	swait.ge [sflag:s7], $0x10000;
	(pc) =	sbr.rel @p0 .LBB2_2-.Ltmp0, $4  }
0x1ad: {  	[sflag:s7] =	ssyncset.done $0x0  }
0x1ae: {  	[sflag:s7] =	ssyncadd.s32 $0xFFFF0000  }
0x1af: {  	_ =	swait.ge [sflag:s7], $0x10000  }
0x1b0: {  	s9 =	sadd.s32 $0xFFFF0000, s9;
	[sflag:s7] =	ssyncset.done $0x0  }
0x1b1: {  	s8 =	sadd.s32 $0x1, s8  }
0x1b2: {  	p0 =	sne.s32 s8, s4  }
.Ltmp1:
0x1b3: {  	_ = 	snop;
	(pc) =	sbr.rel @p0 .LBB2_1-.Ltmp1, $2  }
0x1b4: {  	_ =	sdelay $0x2  }
0x1b5: {  	[sflag:s7] =	ssyncadd.s32 $0xFFFF0000  }
0x1b6: {  	_ =	sfence.sel $0x180000  }
0x1b7: {  	[bflag:$0x0] =	sbarrier.arrive $0xFFFF  }
0x1b8: {  	p0 =	sne.s32 s1, $0x0;
	_ =	strace $0x90000047  }
0x1b9: {  	s0 =	sadd.s32 @!p0 $0x100000, s0;
	[bflag:$0x2] =	sbarrier.arrive $0xFFFF  }
0x1ba: {  	[sflag:s0] =	ssyncadd.tile.s32 @!p0 $0x1;
	_ =	shalt  }
.Lfunc_end2:
_tile_overlayer_lowered:
.L_overlay_start_2:
0x1bb: {  	(tag) =	ssettag $0x2  }
0x1bc: {  	s0 =	rddreg [dreg:$0x0];
	s2 =	stileid.u32  }
0x1bd: {  	s1 =	rddreg [dreg:$0x1];
	p0 =	sne.s32 s2, $0x0  }
0x1be: {  	s3 =	rddreg [dreg:$0x2];
	[bflag:$0x3] =	sbarrier.arrive $0xFFFF;
	s2 =	simm.s32 @!p0 $0x1C02  }
0x1bf: {  	[timem:s3], [sflag:s2] =	dma.local @!p0 [hbm:s0], s1  }
0x1c0: {  	s0 =	simm.s32 @!p0 $0x2  }
0x1c1: {  	_ =	swait.ge @!p0 [sflag:s0], s1  }
0x1c2: {  	s1 =	ssub.s32 @!p0 $0x0, s1;
	[sflag:s0] =	ssyncset.done @!p0 $0x0  }
0x1c3: {  	[sflag:s0] =	ssyncadd.s32 @!p0 s1  }
0x1c4: {  	[bflag:$0x3] =	sbarrier.arrive $0xFFFF  }
0x1c5: {  	_ =	shalt  }

</sc_bundles>
